<compile_context>
chip_gen: v7x
topology: tpu7x:2x2x1
jax: 0.10.2.dev20260603
libtpu: 0.0.44.dev20260713+nightly
codegen_flags: <defaults>
</compile_context>

<pallas_src>
import functools
import math

import jax
import jax.numpy as jnp
from jax import lax
from jax.experimental import pallas as pl
from jax.experimental.pallas import tpu as pltpu

_PRE = 2000
_POST = 1000
_THR = 0.7
_P = 2048
_OUT_R = 1024
_BR = 128
_MAX_OFF = math.log(1000.0 / 16)


def _permute_nchw(t, C):
    N, _, H_, W_ = t.shape
    t = t.reshape(N, -1, C, H_, W_)
    t = jnp.transpose(t, (0, 3, 4, 1, 2))
    return t.reshape(N, -1, C)


def _rpn_body(anc_ref, reg_ref, s_ref, size_ref, out_ref, m_ref, tt_ref):
    f32 = jnp.float32
    anc = anc_ref[0]
    reg = reg_ref[0]
    s = s_ref[0]
    h_img = size_ref[0, 0, 0]
    w_img = size_ref[0, 0, 1]

    ax1, ay1, ax2, ay2 = anc[0:1], anc[1:2], anc[2:3], anc[3:4]
    ws = ax2 - ax1 + 1.0
    hs = ay2 - ay1 + 1.0
    xc = ax1 + 0.5 * ws
    yc = ay1 + 0.5 * hs
    dx, dy = reg[0:1], reg[1:2]
    dw = jnp.minimum(reg[2:3], _MAX_OFF)
    dh = jnp.minimum(reg[3:4], _MAX_OFF)
    xc = xc + dx * ws
    yc = yc + dy * hs
    ws = ws * jnp.exp(dw)
    hs = hs * jnp.exp(dh)
    x1 = xc - 0.5 * ws
    y1 = yc - 0.5 * hs
    x2 = xc + 0.5 * ws - 1.0
    y2 = yc + 0.5 * hs - 1.0
    x1 = jnp.minimum(jnp.maximum(x1, 0.0), w_img - 1.0)
    y1 = jnp.minimum(jnp.maximum(y1, 0.0), h_img - 1.0)
    x2 = jnp.minimum(jnp.maximum(x2, 0.0), w_img - 1.0)
    y2 = jnp.minimum(jnp.maximum(y2, 0.0), h_img - 1.0)
    area = (x2 - x1 + 1.0) * (y2 - y1 + 1.0)

    col_ids = lax.broadcasted_iota(jnp.int32, (1, _P), 1)
    valid = col_ids < _PRE

    t8 = jnp.concatenate(
        [x1, y1, x2, y2, s, area, jnp.zeros((2, _P), f32)], axis=0)
    tt_ref[...] = jnp.transpose(t8)

    for rb in range(_P // _BR):
        r0 = rb * _BR
        tb = tt_ref[r0:r0 + _BR, :]
        bx1, by1 = tb[:, 0:1], tb[:, 1:2]
        bx2, by2 = tb[:, 2:3], tb[:, 3:4]
        barea = tb[:, 5:6]
        x_tl = jnp.maximum(bx1, x1)
        y_tl = jnp.maximum(by1, y1)
        x_br = jnp.minimum(bx2, x2)
        y_br = jnp.minimum(by2, y2)
        inter = (jnp.maximum(x_br - x_tl + 1.0, 0.0)
                 * jnp.maximum(y_br - y_tl + 1.0, 0.0))
        iou = inter / (barea + area - inter)
        row_ids = r0 + lax.broadcasted_iota(jnp.int32, (_BR, 1), 0)
        m = ((iou > _THR) & (col_ids > row_ids) & valid
             & (row_ids < _PRE))
        m_ref[r0:r0 + _BR, :] = m.astype(jnp.bfloat16)

    keep0 = jnp.where(valid, 1.0, 0.0)

    def _cond(carry):
        return carry[1]

    def _body(carry):
        k, _ = carry
        sup = lax.dot_general(
            k.astype(jnp.bfloat16), m_ref[...],
            (((1,), (0,)), ((), ())), preferred_element_type=f32)
        k_new = jnp.where((sup > 0.0) | (~valid), 0.0, 1.0)
        changed = jnp.any(k_new != k)
        return (k_new, changed)

    keep, _ = lax.while_loop(_cond, _body, (keep0, jnp.bool_(True)))

    kv = keep
    nv = jnp.where(valid, 1.0 - keep, 0.0)

    def _cumsum_lanes(v):
        c = v
        sh = 1
        while sh < _P:
            c = c + jnp.concatenate(
                [jnp.zeros((1, sh), f32), c[:, :_P - sh]], axis=1)
            sh *= 2
        return c

    ckv = _cumsum_lanes(kv)
    cnv = _cumsum_lanes(nv)
    n_keep = ckv[:, _P - 1:_P]
    pos = jnp.where(keep > 0.0, ckv - 1.0, n_keep + cnv - 1.0)
    pos = jnp.where(valid, pos, 2.0 * _P)

    rows = lax.broadcasted_iota(jnp.int32, (_OUT_R, 1), 0).astype(f32)
    acc = jnp.zeros((_OUT_R, 8), f32)
    for c0 in range(0, _P, _OUT_R):
        oht = (rows == pos[:, c0:c0 + _OUT_R]).astype(f32)
        acc = acc + jnp.dot(oht, tt_ref[c0:c0 + _OUT_R, :],
                            preferred_element_type=f32)
    out_ref[0] = acc


@functools.partial(jax.jit, static_argnames=())
def kernel(anchors, logits, bbox_regs, sizes):
    N, A_, H_, W_ = logits.shape
    sl_scores = jax.nn.sigmoid(logits.reshape(N * A_, H_ * W_))
    v1, hw1 = lax.top_k(sl_scores, _PRE)
    i1 = (hw1 * A_
          + lax.broadcasted_iota(jnp.int32, (N * A_, _PRE), 0) % A_)
    sneg, si = lax.sort((-v1.reshape(N, A_ * _PRE),
                         i1.reshape(N, A_ * _PRE)), dimension=1, num_keys=2)
    s_k = -sneg[:, :_PRE]
    topk_inds = si[:, :_PRE]
    flat_regs = bbox_regs.reshape(N, A_ * 4, H_ * W_)
    a_idx = topk_inds % A_
    hw_idx = topk_inds // A_
    g = jnp.take_along_axis(flat_regs, hw_idx[:, None, :], axis=2)
    g = g.reshape(N, A_, 4, _PRE)
    regs_kt = jnp.take_along_axis(g, a_idx[:, None, None, :], axis=1)[:, 0]
    anc_k = jnp.take_along_axis(anchors, topk_inds[:, :, None], axis=1)

    pad = _P - _PRE
    anc_t = jnp.pad(jnp.transpose(anc_k, (0, 2, 1)), ((0, 0), (0, 0), (0, pad)))
    reg_t = jnp.pad(regs_kt, ((0, 0), (0, 0), (0, pad)))
    s_p = jnp.pad(s_k, ((0, 0), (0, pad))).reshape(N, 1, _P)
    sizes3 = sizes.astype(jnp.float32).reshape(N, 1, 2)

    out = pl.pallas_call(
        _rpn_body,
        grid=(N,),
        in_specs=[
            pl.BlockSpec((1, 4, _P), lambda i: (i, 0, 0)),
            pl.BlockSpec((1, 4, _P), lambda i: (i, 0, 0)),
            pl.BlockSpec((1, 1, _P), lambda i: (i, 0, 0)),
            pl.BlockSpec((1, 1, 2), lambda i: (i, 0, 0)),
        ],
        out_specs=pl.BlockSpec((1, _OUT_R, 8), lambda i: (i, 0, 0)),
        out_shape=jax.ShapeDtypeStruct((N, _OUT_R, 8), jnp.float32),
        scratch_shapes=[
            pltpu.VMEM((_P, _P), jnp.bfloat16),
            pltpu.VMEM((_P, 8), jnp.float32),
        ],
    )(anc_t, reg_t, s_p, sizes3)

    boxes = out[:, :_POST, 0:4]
    out_scores = out[:, :_POST, 4]
    return boxes, out_scores

# --- scband reference (transcript-rebuilt; emitter-appended) ---
"""Pipeline reference for scband-rpn-16329465660238 (READ-ONLY COPY).

The authoritative reference and input builder live on the scoring server;
editing this copy changes nothing except your own understanding.
"""

import math
import jax, jax.numpy as jnp
import numpy as np
from jax import lax

PRE_NMS_TOP_N = 2000
POST_NMS_TOP_N = 1000
NMS_THRESHOLD = 0.7
BBOX_REG_WEIGHTS = (1.0, 1.0, 1.0, 1.0)
N_IMG, A, H, W = 2, 3, 256, 256
IMG_H, IMG_W = 1024.0, 1024.0


def setup_inputs(seed: int = 0) -> dict:
    key = jax.random.key(seed)
    k1, k2, k3, k4, k5, k6 = jax.random.split(key, 6)
    M = A * H * W
    cx = jax.random.uniform(k1, (N_IMG, M), minval=0.0, maxval=IMG_W)
    cy = jax.random.uniform(k2, (N_IMG, M), minval=0.0, maxval=IMG_H)
    bw = jax.random.uniform(k3, (N_IMG, M), minval=16.0, maxval=256.0)
    bh = jax.random.uniform(k4, (N_IMG, M), minval=16.0, maxval=256.0)
    anchors = jnp.stack([cx - 0.5 * bw, cy - 0.5 * bh, cx + 0.5 * bw - 1.0, cy + 0.5 * bh - 1.0], axis=-1).astype(jnp.float32)
    logits = jax.random.normal(k5, (N_IMG, A, H, W), dtype=jnp.float32)
    bbox_regs = (jax.random.normal(k6, (N_IMG, A * 4, H, W), dtype=jnp.float32) * 0.1)
    sizes = jnp.array([[IMG_H, IMG_W]] * N_IMG, dtype=jnp.float32)
    return {"anchors": anchors, "logits": logits, "bbox_regs": bbox_regs, "sizes": sizes}


def _permute(t, C):
    N, _, H_, W_ = t.shape
    t = t.reshape(N, -1, C, H_, W_)
    t = jnp.transpose(t, (0, 3, 4, 1, 2))
    return t.reshape(N, -1, C)


def _decode(anchors, offsets):
    max_offset = math.log(1000.0 / 16)
    ws = anchors[:, 2] - anchors[:, 0] + 1.0
    hs = anchors[:, 3] - anchors[:, 1] + 1.0
    x_ctr = anchors[:, 0] + 0.5 * ws
    y_ctr = anchors[:, 1] + 0.5 * hs
    wx, wy, ww, wh = BBOX_REG_WEIGHTS
    dx = offsets[:, 0] / wx
    dy = offsets[:, 1] / wy
    dw = jnp.minimum(offsets[:, 2] / ww, max_offset)
    dh = jnp.minimum(offsets[:, 3] / wh, max_offset)
    x_ctr = x_ctr + dx * ws
    y_ctr = y_ctr + dy * hs
    ws = ws * jnp.exp(dw)
    hs = hs * jnp.exp(dh)
    x1 = x_ctr - 0.5 * ws
    y1 = y_ctr - 0.5 * hs
    x2 = x_ctr + 0.5 * ws - 1.0
    y2 = y_ctr + 0.5 * hs - 1.0
    return jnp.stack([x1, y1, x2, y2], axis=1)


def _nms_keep_order(boxes, scores, thr):
    n = boxes.shape[0]
    order = jnp.argsort(-scores)
    b = boxes[order]
    areas = (b[:, 2] - b[:, 0] + 1.0) * (b[:, 3] - b[:, 1] + 1.0)
    x_tl = jnp.maximum(b[:, None, 0], b[None, :, 0])
    y_tl = jnp.maximum(b[:, None, 1], b[None, :, 1])
    x_br = jnp.minimum(b[:, None, 2], b[None, :, 2])
    y_br = jnp.minimum(b[:, None, 3], b[None, :, 3])
    inter = jnp.maximum(x_br - x_tl + 1.0, 0.0) * jnp.maximum(y_br - y_tl + 1.0, 0.0)
    iou = inter / (areas[:, None] + areas[None, :] - inter)
    idx = jnp.arange(n)

    def body(keep, i):
        suppress = (iou[i] > thr) & (idx > i) & keep[i]
        return keep & (~suppress), None

    keep, _ = lax.scan(body, jnp.ones((n,), dtype=bool), idx)
    return order, keep


def reference(anchors, logits, bbox_regs, sizes):
    N, A_, H_, W_ = logits.shape
    scores = _permute(logits, 1).reshape(N, -1)
    regs = _permute(bbox_regs, 4)
    num_anchors = A_ * H_ * W_
    pre = min(PRE_NMS_TOP_N, num_anchors)
    scores = jax.nn.sigmoid(scores)
    scores, topk_inds = lax.top_k(scores, pre)
    regs = jnp.take_along_axis(regs, topk_inds[:, :, None], axis=1)
    anc = jnp.take_along_axis(anchors, topk_inds[:, :, None], axis=1)
    proposals = _decode(anc.reshape(-1, 4), regs.reshape(-1, 4)).reshape(N, -1, 4)
    out_boxes, out_scores = [], []
    for i in range(N):
        p = proposals[i]
        s = scores[i]
        size = sizes[i]
        x1 = jnp.clip(p[:, 0], 0.0, size[1] - 1.0)
        y1 = jnp.clip(p[:, 1], 0.0, size[0] - 1.0)
        x2 = jnp.clip(p[:, 2], 0.0, size[1] - 1.0)
        y2 = jnp.clip(p[:, 3], 0.0, size[0] - 1.0)
        p = jnp.stack([x1, y1, x2, y2], axis=1)
        order, keep = _nms_keep_order(lax.stop_gradient(p), lax.stop_gradient(s), NMS_THRESHOLD)
        masked = jnp.where(keep, s[order], -1e9)
        post = min(POST_NMS_TOP_N, pre)
        kept_scores, kept_pos = lax.top_k(masked, post)
        final_idx = order[kept_pos]
        out_boxes.append(p[final_idx])
        out_scores.append(s[final_idx])
    return jnp.stack(out_boxes, axis=0), jnp.stack(out_scores, axis=0)

if __name__ == "__main__":
    import jax
    _d = setup_inputs()
    print(jax.jit(kernel)(*tuple(_d.values())))

</pallas_src>

<mosaic_0001>
module attributes {stable_mosaic.version = 14 : i64} {
  func.func @_rpn_body(%arg0: i32, %arg1: memref<1x4x2048xf32, #tpu.memory_space<vmem>>, %arg2: memref<1x4x2048xf32, #tpu.memory_space<vmem>>, %arg3: memref<1x1x2048xf32, #tpu.memory_space<vmem>>, %arg4: memref<1x1x2xf32, #tpu.memory_space<vmem>>, %arg5: memref<1x1024x8xf32, #tpu.memory_space<vmem>>, %arg6: memref<2048x2048xbf16, #tpu.memory_space<vmem>>, %arg7: memref<2048x8xf32, #tpu.memory_space<vmem>>) attributes {dimension_semantics = [#tpu.dimension_semantics<arbitrary>], iteration_bounds = array<i64: 2>, scalar_prefetch = 0 : i64, scratch_operands = 2 : i64, tpu.core_type = #tpu.core_type<tc>, window_params = [{transform_indices = @transform_0, window_bounds = array<i64: 1, 4, 2048>}, {transform_indices = @transform_1, window_bounds = array<i64: 1, 4, 2048>}, {transform_indices = @transform_2, window_bounds = array<i64: 1, 1, 2048>}, {transform_indices = @transform_3, window_bounds = array<i64: 1, 1, 2>}, {transform_indices = @transform_4, window_bounds = array<i64: 1, 1024, 8>}]} {
    %get3A = arith.constant 0 : index
    %get3A_0 = arith.constant 0 : index
    %get3A_1 = arith.constant 0 : index
    %get3A_2 = vector.load %arg1[%get3A, %get3A_0, %get3A_1] : memref<1x4x2048xf32, #tpu.memory_space<vmem>>, vector<1x4x2048xf32>
    %get3A_3 = vector.shape_cast %get3A_2 : vector<1x4x2048xf32> to vector<4x2048xf32>
    %get3A_4 = arith.constant 0 : index
    %get3A_5 = arith.constant 0 : index
    %get3A_6 = arith.constant 0 : index
    %get3A_7 = vector.load %arg2[%get3A_4, %get3A_5, %get3A_6] : memref<1x4x2048xf32, #tpu.memory_space<vmem>>, vector<1x4x2048xf32>
    %get3A_8 = vector.shape_cast %get3A_7 : vector<1x4x2048xf32> to vector<4x2048xf32>
    %get3A_9 = arith.constant 0 : index
    %get3A_10 = arith.constant 0 : index
    %get3A_11 = arith.constant 0 : index
    %get3A_12 = vector.load %arg3[%get3A_9, %get3A_10, %get3A_11] : memref<1x1x2048xf32, #tpu.memory_space<vmem>>, vector<1x1x2048xf32>
    %get3A_13 = vector.shape_cast %get3A_12 : vector<1x1x2048xf32> to vector<1x2048xf32>
    %get3A_14 = arith.constant 0 : index
    %get3A_15 = arith.constant 0 : index
    %get3A_16 = arith.constant 0 : index
    %get3A_17 = vector.load %arg4[%get3A_14, %get3A_15, %get3A_16] : memref<1x1x2xf32, #tpu.memory_space<vmem>>, vector<1x1x1xf32>
    %get3A_18 = vector.extract %get3A_17[0, 0, 0] : f32 from vector<1x1x1xf32>
    %get3A_19 = arith.constant 0 : index
    %get3A_20 = arith.constant 0 : index
    %get3A_21 = arith.constant 1 : index
    %get3A_22 = vector.load %arg4[%get3A_19, %get3A_20, %get3A_21] : memref<1x1x2xf32, #tpu.memory_space<vmem>>, vector<1x1x1xf32>
    %get3A_23 = vector.extract %get3A_22[0, 0, 0] : f32 from vector<1x1x1xf32>
    %slice3A = vector.extract_strided_slice %get3A_3 {offsets = [0, 0], sizes = [1, 2048], strides = [1, 1]} : vector<4x2048xf32> to vector<1x2048xf32>
    %slice3A_24 = vector.extract_strided_slice %get3A_3 {offsets = [1, 0], sizes = [1, 2048], strides = [1, 1]} : vector<4x2048xf32> to vector<1x2048xf32>
    %slice3A_25 = vector.extract_strided_slice %get3A_3 {offsets = [2, 0], sizes = [1, 2048], strides = [1, 1]} : vector<4x2048xf32> to vector<1x2048xf32>
    %slice3A_26 = vector.extract_strided_slice %get3A_3 {offsets = [3, 0], sizes = [1, 2048], strides = [1, 1]} : vector<4x2048xf32> to vector<1x2048xf32>
    %sub3A = arith.subf %slice3A_25, %slice3A : vector<1x2048xf32>
    %add3A = arith.constant 1.000000e+00 : f32
    %add3A_27 = vector.broadcast %add3A : f32 to vector<1x2048xf32>
    %add3A_28 = arith.addf %sub3A, %add3A_27 : vector<1x2048xf32>
    %sub3A_29 = arith.subf %slice3A_26, %slice3A_24 : vector<1x2048xf32>
    %add3A_30 = arith.constant 1.000000e+00 : f32
    %add3A_31 = vector.broadcast %add3A_30 : f32 to vector<1x2048xf32>
    %add3A_32 = arith.addf %sub3A_29, %add3A_31 : vector<1x2048xf32>
    %mul3A = arith.constant 5.000000e-01 : f32
    %mul3A_33 = vector.broadcast %mul3A : f32 to vector<1x2048xf32>
    %mul3A_34 = arith.mulf %mul3A_33, %add3A_28 : vector<1x2048xf32>
    %add3A_35 = arith.addf %slice3A, %mul3A_34 : vector<1x2048xf32>
    %mul3A_36 = arith.constant 5.000000e-01 : f32
    %mul3A_37 = vector.broadcast %mul3A_36 : f32 to vector<1x2048xf32>
    %mul3A_38 = arith.mulf %mul3A_37, %add3A_32 : vector<1x2048xf32>
    %add3A_39 = arith.addf %slice3A_24, %mul3A_38 : vector<1x2048xf32>
    %slice3A_40 = vector.extract_strided_slice %get3A_8 {offsets = [0, 0], sizes = [1, 2048], strides = [1, 1]} : vector<4x2048xf32> to vector<1x2048xf32>
    %slice3A_41 = vector.extract_strided_slice %get3A_8 {offsets = [1, 0], sizes = [1, 2048], strides = [1, 1]} : vector<4x2048xf32> to vector<1x2048xf32>
    %slice3A_42 = vector.extract_strided_slice %get3A_8 {offsets = [2, 0], sizes = [1, 2048], strides = [1, 1]} : vector<4x2048xf32> to vector<1x2048xf32>
    %min3A = arith.constant 4.13516665 : f32
    %min3A_43 = vector.broadcast %min3A : f32 to vector<1x2048xf32>
    %min3A_44 = arith.minimumf %slice3A_42, %min3A_43 : vector<1x2048xf32>
    %slice3A_45 = vector.extract_strided_slice %get3A_8 {offsets = [3, 0], sizes = [1, 2048], strides = [1, 1]} : vector<4x2048xf32> to vector<1x2048xf32>
    %min3A_46 = arith.constant 4.13516665 : f32
    %min3A_47 = vector.broadcast %min3A_46 : f32 to vector<1x2048xf32>
    %min3A_48 = arith.minimumf %slice3A_45, %min3A_47 : vector<1x2048xf32>
    %mul3A_49 = arith.mulf %slice3A_40, %add3A_28 : vector<1x2048xf32>
    %add3A_50 = arith.addf %add3A_35, %mul3A_49 : vector<1x2048xf32>
    %mul3A_51 = arith.mulf %slice3A_41, %add3A_32 : vector<1x2048xf32>
    %add3A_52 = arith.addf %add3A_39, %mul3A_51 : vector<1x2048xf32>
    %exp3A = math.exp %min3A_44 : vector<1x2048xf32>
    %mul3A_53 = arith.mulf %add3A_28, %exp3A : vector<1x2048xf32>
    %exp3A_54 = math.exp %min3A_48 : vector<1x2048xf32>
    %mul3A_55 = arith.mulf %add3A_32, %exp3A_54 : vector<1x2048xf32>
    %mul3A_56 = arith.constant 5.000000e-01 : f32
    %mul3A_57 = vector.broadcast %mul3A_56 : f32 to vector<1x2048xf32>
    %mul3A_58 = arith.mulf %mul3A_57, %mul3A_53 : vector<1x2048xf32>
    %sub3A_59 = arith.subf %add3A_50, %mul3A_58 : vector<1x2048xf32>
    %mul3A_60 = arith.constant 5.000000e-01 : f32
    %mul3A_61 = vector.broadcast %mul3A_60 : f32 to vector<1x2048xf32>
    %mul3A_62 = arith.mulf %mul3A_61, %mul3A_55 : vector<1x2048xf32>
    %sub3A_63 = arith.subf %add3A_52, %mul3A_62 : vector<1x2048xf32>
    %mul3A_64 = arith.constant 5.000000e-01 : f32
    %mul3A_65 = vector.broadcast %mul3A_64 : f32 to vector<1x2048xf32>
    %mul3A_66 = arith.mulf %mul3A_65, %mul3A_53 : vector<1x2048xf32>
    %add3A_67 = arith.addf %add3A_50, %mul3A_66 : vector<1x2048xf32>
    %sub3A_68 = arith.constant 1.000000e+00 : f32
    %sub3A_69 = vector.broadcast %sub3A_68 : f32 to vector<1x2048xf32>
    %sub3A_70 = arith.subf %add3A_67, %sub3A_69 : vector<1x2048xf32>
    %mul3A_71 = arith.constant 5.000000e-01 : f32
    %mul3A_72 = vector.broadcast %mul3A_71 : f32 to vector<1x2048xf32>
    %mul3A_73 = arith.mulf %mul3A_72, %mul3A_55 : vector<1x2048xf32>
    %add3A_74 = arith.addf %add3A_52, %mul3A_73 : vector<1x2048xf32>
    %sub3A_75 = arith.constant 1.000000e+00 : f32
    %sub3A_76 = vector.broadcast %sub3A_75 : f32 to vector<1x2048xf32>
    %sub3A_77 = arith.subf %add3A_74, %sub3A_76 : vector<1x2048xf32>
    %max3A = arith.constant 0.000000e+00 : f32
    %max3A_78 = vector.broadcast %max3A : f32 to vector<1x2048xf32>
    %max3A_79 = arith.maximumf %sub3A_59, %max3A_78 : vector<1x2048xf32>
    %sub3A_80 = arith.constant 1.000000e+00 : f32
    %sub3A_81 = arith.subf %get3A_23, %sub3A_80 : f32
    %min3A_82 = vector.broadcast %sub3A_81 : f32 to vector<1x2048xf32>
    %min3A_83 = arith.minimumf %max3A_79, %min3A_82 : vector<1x2048xf32>
    %max3A_84 = arith.constant 0.000000e+00 : f32
    %max3A_85 = vector.broadcast %max3A_84 : f32 to vector<1x2048xf32>
    %max3A_86 = arith.maximumf %sub3A_63, %max3A_85 : vector<1x2048xf32>
    %sub3A_87 = arith.constant 1.000000e+00 : f32
    %sub3A_88 = arith.subf %get3A_18, %sub3A_87 : f32
    %min3A_89 = vector.broadcast %sub3A_88 : f32 to vector<1x2048xf32>
    %min3A_90 = arith.minimumf %max3A_86, %min3A_89 : vector<1x2048xf32>
    %max3A_91 = arith.constant 0.000000e+00 : f32
    %max3A_92 = vector.broadcast %max3A_91 : f32 to vector<1x2048xf32>
    %max3A_93 = arith.maximumf %sub3A_70, %max3A_92 : vector<1x2048xf32>
    %sub3A_94 = arith.constant 1.000000e+00 : f32
    %sub3A_95 = arith.subf %get3A_23, %sub3A_94 : f32
    %min3A_96 = vector.broadcast %sub3A_95 : f32 to vector<1x2048xf32>
    %min3A_97 = arith.minimumf %max3A_93, %min3A_96 : vector<1x2048xf32>
    %max3A_98 = arith.constant 0.000000e+00 : f32
    %max3A_99 = vector.broadcast %max3A_98 : f32 to vector<1x2048xf32>
    %max3A_100 = arith.maximumf %sub3A_77, %max3A_99 : vector<1x2048xf32>
    %sub3A_101 = arith.constant 1.000000e+00 : f32
    %sub3A_102 = arith.subf %get3A_18, %sub3A_101 : f32
    %min3A_103 = vector.broadcast %sub3A_102 : f32 to vector<1x2048xf32>
    %min3A_104 = arith.minimumf %max3A_100, %min3A_103 : vector<1x2048xf32>
    %sub3A_105 = arith.subf %min3A_97, %min3A_83 : vector<1x2048xf32>
    %add3A_106 = arith.constant 1.000000e+00 : f32
    %add3A_107 = vector.broadcast %add3A_106 : f32 to vector<1x2048xf32>
    %add3A_108 = arith.addf %sub3A_105, %add3A_107 : vector<1x2048xf32>
    %sub3A_109 = arith.subf %min3A_104, %min3A_90 : vector<1x2048xf32>
    %add3A_110 = arith.constant 1.000000e+00 : f32
    %add3A_111 = vector.broadcast %add3A_110 : f32 to vector<1x2048xf32>
    %add3A_112 = arith.addf %sub3A_109, %add3A_111 : vector<1x2048xf32>
    %mul3A_113 = arith.mulf %add3A_108, %add3A_112 : vector<1x2048xf32>
    %iota3A = tpu.iota {dimensions = array<i32: 1>} : vector<1x2048xi32>
    %lt3A = arith.constant 2000 : i32
    %lt3A_114 = vector.broadcast %lt3A : i32 to vector<1x2048xi32>
    %lt3A_115 = arith.cmpi slt, %iota3A, %lt3A_114 : vector<1x2048xi32>
    %broadcast_in_dim3A = arith.constant 0.000000e+00 : f32
    %broadcast_in_dim3A_116 = vector.broadcast %broadcast_in_dim3A : f32 to vector<2x2048xf32>
    %concatenate3A = tpu.concatenate %min3A_83, %min3A_90, %min3A_97, %min3A_104, %get3A_13, %mul3A_113, %broadcast_in_dim3A_116 in 0 : vector<1x2048xf32>, vector<1x2048xf32>, vector<1x2048xf32>, vector<1x2048xf32>, vector<1x2048xf32>, vector<1x2048xf32>, vector<2x2048xf32> -> vector<8x2048xf32>
    %transpose3A = tpu.transpose %concatenate3A, [1, 0] : vector<8x2048xf32> -> vector<2048x8xf32>
    %swap3A = arith.constant 0 : index
    %swap3A_117 = arith.constant 0 : index
    %swap3A_118 = vector.load %arg7[%swap3A, %swap3A_117] : memref<2048x8xf32, #tpu.memory_space<vmem>>, vector<2048x8xf32>
    tpu.vector_store %arg7[%swap3A, %swap3A_117], %transpose3A {strides = array<i32>} : memref<2048x8xf32, #tpu.memory_space<vmem>>, vector<2048x8xf32>,
    %get3A_119 = arith.constant 0 : index
    %get3A_120 = arith.constant 0 : index
    %get3A_121 = vector.load %arg7[%get3A_119, %get3A_120] : memref<2048x8xf32, #tpu.memory_space<vmem>>, vector<128x8xf32>
    %slice3A_122 = vector.extract_strided_slice %get3A_121 {offsets = [0, 0], sizes = [128, 1], strides = [1, 1]} : vector<128x8xf32> to vector<128x1xf32>
    %slice3A_123 = vector.extract_strided_slice %get3A_121 {offsets = [0, 1], sizes = [128, 1], strides = [1, 1]} : vector<128x8xf32> to vector<128x1xf32>
    %slice3A_124 = vector.extract_strided_slice %get3A_121 {offsets = [0, 2], sizes = [128, 1], strides = [1, 1]} : vector<128x8xf32> to vector<128x1xf32>
    %slice3A_125 = vector.extract_strided_slice %get3A_121 {offsets = [0, 3], sizes = [128, 1], strides = [1, 1]} : vector<128x8xf32> to vector<128x1xf32>
    %slice3A_126 = vector.extract_strided_slice %get3A_121 {offsets = [0, 5], sizes = [128, 1], strides = [1, 1]} : vector<128x8xf32> to vector<128x1xf32>
    %max3A_127 = vector.broadcast %slice3A_122 : vector<128x1xf32> to vector<128x2048xf32>
    %max3A_128 = vector.broadcast %min3A_83 : vector<1x2048xf32> to vector<128x2048xf32>
    %max3A_129 = arith.maximumf %max3A_127, %max3A_128 : vector<128x2048xf32>
    %max3A_130 = vector.broadcast %slice3A_123 : vector<128x1xf32> to vector<128x2048xf32>
    %max3A_131 = vector.broadcast %min3A_90 : vector<1x2048xf32> to vector<128x2048xf32>
    %max3A_132 = arith.maximumf %max3A_130, %max3A_131 : vector<128x2048xf32>
    %min3A_133 = vector.broadcast %slice3A_124 : vector<128x1xf32> to vector<128x2048xf32>
    %min3A_134 = vector.broadcast %min3A_97 : vector<1x2048xf32> to vector<128x2048xf32>
    %min3A_135 = arith.minimumf %min3A_133, %min3A_134 : vector<128x2048xf32>
    %min3A_136 = vector.broadcast %slice3A_125 : vector<128x1xf32> to vector<128x2048xf32>
    %min3A_137 = vector.broadcast %min3A_104 : vector<1x2048xf32> to vector<128x2048xf32>
    %min3A_138 = arith.minimumf %min3A_136, %min3A_137 : vector<128x2048xf32>
    %sub3A_139 = arith.subf %min3A_135, %max3A_129 : vector<128x2048xf32>
    %add3A_140 = arith.constant 1.000000e+00 : f32
    %add3A_141 = vector.broadcast %add3A_140 : f32 to vector<128x2048xf32>
    %add3A_142 = arith.addf %sub3A_139, %add3A_141 : vector<128x2048xf32>
    %max3A_143 = arith.constant 0.000000e+00 : f32
    %max3A_144 = vector.broadcast %max3A_143 : f32 to vector<128x2048xf32>
    %max3A_145 = arith.maximumf %add3A_142, %max3A_144 : vector<128x2048xf32>
    %sub3A_146 = arith.subf %min3A_138, %max3A_132 : vector<128x2048xf32>
    %add3A_147 = arith.constant 1.000000e+00 : f32
    %add3A_148 = vector.broadcast %add3A_147 : f32 to vector<128x2048xf32>
    %add3A_149 = arith.addf %sub3A_146, %add3A_148 : vector<128x2048xf32>
    %max3A_150 = arith.constant 0.000000e+00 : f32
    %max3A_151 = vector.broadcast %max3A_150 : f32 to vector<128x2048xf32>
    %max3A_152 = arith.maximumf %add3A_149, %max3A_151 : vector<128x2048xf32>
    %mul3A_153 = arith.mulf %max3A_145, %max3A_152 : vector<128x2048xf32>
    %add3A_154 = vector.broadcast %slice3A_126 : vector<128x1xf32> to vector<128x2048xf32>
    %add3A_155 = vector.broadcast %mul3A_113 : vector<1x2048xf32> to vector<128x2048xf32>
    %add3A_156 = arith.addf %add3A_154, %add3A_155 : vector<128x2048xf32>
    %sub3A_157 = arith.subf %add3A_156, %mul3A_153 : vector<128x2048xf32>
    %div3A = arith.divf %mul3A_153, %sub3A_157 : vector<128x2048xf32>
    %iota3A_158 = tpu.iota {dimensions = array<i32: 0>} : vector<128x1xi32>
    %add3A_159 = arith.constant 0 : i32
    %add3A_160 = vector.broadcast %add3A_159 : i32 to vector<128x1xi32>
    %add3A_161 = arith.addi %add3A_160, %iota3A_158 : vector<128x1xi32>
    %gt3A = arith.constant 0.699999988 : f32
    %gt3A_162 = vector.broadcast %gt3A : f32 to vector<128x2048xf32>
    %gt3A_163 = arith.cmpf ogt, %div3A, %gt3A_162 : vector<128x2048xf32>
    %gt3A_164 = vector.broadcast %iota3A : vector<1x2048xi32> to vector<128x2048xi32>
    %gt3A_165 = vector.broadcast %add3A_161 : vector<128x1xi32> to vector<128x2048xi32>
    %gt3A_166 = arith.cmpi sgt, %gt3A_164, %gt3A_165 : vector<128x2048xi32>
    %and3A = arith.andi %gt3A_163, %gt3A_166 : vector<128x2048xi1>
    %and3A_167 = vector.broadcast %lt3A_115 : vector<1x2048xi1> to vector<128x2048xi1>
    %and3A_168 = arith.andi %and3A, %and3A_167 : vector<128x2048xi1>
    %lt3A_169 = arith.constant 2000 : i32
    %lt3A_170 = vector.broadcast %lt3A_169 : i32 to vector<128x1xi32>
    %lt3A_171 = arith.cmpi slt, %add3A_161, %lt3A_170 : vector<128x1xi32>
    %and3A_172 = vector.broadcast %lt3A_171 : vector<128x1xi1> to vector<128x2048xi1>
    %and3A_173 = arith.andi %and3A_168, %and3A_172 : vector<128x2048xi1>
    %convert_element_type3A = arith.extui %and3A_173 : vector<128x2048xi1> to vector<128x2048xi32>
    %convert_element_type3A_174 = arith.sitofp %convert_element_type3A : vector<128x2048xi32> to vector<128x2048xf32>
    %convert_element_type3A_175 = arith.truncf %convert_element_type3A_174 : vector<128x2048xf32> to vector<128x2048xbf16>
    %swap3A_176 = arith.constant 0 : index
    %swap3A_177 = arith.constant 0 : index
    %swap3A_178 = vector.load %arg6[%swap3A_176, %swap3A_177] : memref<2048x2048xbf16, #tpu.memory_space<vmem>>, vector<128x2048xbf16>
    tpu.vector_store %arg6[%swap3A_176, %swap3A_177], %convert_element_type3A_175 {strides = array<i32>} : memref<2048x2048xbf16, #tpu.memory_space<vmem>>, vector<128x2048xbf16>,
    %get3A_179 = arith.constant 128 : index
    %get3A_180 = arith.constant 0 : index
    %get3A_181 = vector.load %arg7[%get3A_179, %get3A_180] : memref<2048x8xf32, #tpu.memory_space<vmem>>, vector<128x8xf32>
    %slice3A_182 = vector.extract_strided_slice %get3A_181 {offsets = [0, 0], sizes = [128, 1], strides = [1, 1]} : vector<128x8xf32> to vector<128x1xf32>
    %slice3A_183 = vector.extract_strided_slice %get3A_181 {offsets = [0, 1], sizes = [128, 1], strides = [1, 1]} : vector<128x8xf32> to vector<128x1xf32>
    %slice3A_184 = vector.extract_strided_slice %get3A_181 {offsets = [0, 2], sizes = [128, 1], strides = [1, 1]} : vector<128x8xf32> to vector<128x1xf32>
    %slice3A_185 = vector.extract_strided_slice %get3A_181 {offsets = [0, 3], sizes = [128, 1], strides = [1, 1]} : vector<128x8xf32> to vector<128x1xf32>
    %slice3A_186 = vector.extract_strided_slice %get3A_181 {offsets = [0, 5], sizes = [128, 1], strides = [1, 1]} : vector<128x8xf32> to vector<128x1xf32>
    %max3A_187 = vector.broadcast %slice3A_182 : vector<128x1xf32> to vector<128x2048xf32>
    %max3A_188 = vector.broadcast %min3A_83 : vector<1x2048xf32> to vector<128x2048xf32>
    %max3A_189 = arith.maximumf %max3A_187, %max3A_188 : vector<128x2048xf32>
    %max3A_190 = vector.broadcast %slice3A_183 : vector<128x1xf32> to vector<128x2048xf32>
    %max3A_191 = vector.broadcast %min3A_90 : vector<1x2048xf32> to vector<128x2048xf32>
    %max3A_192 = arith.maximumf %max3A_190, %max3A_191 : vector<128x2048xf32>
    %min3A_193 = vector.broadcast %slice3A_184 : vector<128x1xf32> to vector<128x2048xf32>
    %min3A_194 = vector.broadcast %min3A_97 : vector<1x2048xf32> to vector<128x2048xf32>
    %min3A_195 = arith.minimumf %min3A_193, %min3A_194 : vector<128x2048xf32>
    %min3A_196 = vector.broadcast %slice3A_185 : vector<128x1xf32> to vector<128x2048xf32>
    %min3A_197 = vector.broadcast %min3A_104 : vector<1x2048xf32> to vector<128x2048xf32>
    %min3A_198 = arith.minimumf %min3A_196, %min3A_197 : vector<128x2048xf32>
    %sub3A_199 = arith.subf %min3A_195, %max3A_189 : vector<128x2048xf32>
    %add3A_200 = arith.constant 1.000000e+00 : f32
    %add3A_201 = vector.broadcast %add3A_200 : f32 to vector<128x2048xf32>
    %add3A_202 = arith.addf %sub3A_199, %add3A_201 : vector<128x2048xf32>
    %max3A_203 = arith.constant 0.000000e+00 : f32
    %max3A_204 = vector.broadcast %max3A_203 : f32 to vector<128x2048xf32>
    %max3A_205 = arith.maximumf %add3A_202, %max3A_204 : vector<128x2048xf32>
    %sub3A_206 = arith.subf %min3A_198, %max3A_192 : vector<128x2048xf32>
    %add3A_207 = arith.constant 1.000000e+00 : f32
    %add3A_208 = vector.broadcast %add3A_207 : f32 to vector<128x2048xf32>
    %add3A_209 = arith.addf %sub3A_206, %add3A_208 : vector<128x2048xf32>
    %max3A_210 = arith.constant 0.000000e+00 : f32
    %max3A_211 = vector.broadcast %max3A_210 : f32 to vector<128x2048xf32>
    %max3A_212 = arith.maximumf %add3A_209, %max3A_211 : vector<128x2048xf32>
    %mul3A_213 = arith.mulf %max3A_205, %max3A_212 : vector<128x2048xf32>
    %add3A_214 = vector.broadcast %slice3A_186 : vector<128x1xf32> to vector<128x2048xf32>
    %add3A_215 = vector.broadcast %mul3A_113 : vector<1x2048xf32> to vector<128x2048xf32>
    %add3A_216 = arith.addf %add3A_214, %add3A_215 : vector<128x2048xf32>
    %sub3A_217 = arith.subf %add3A_216, %mul3A_213 : vector<128x2048xf32>
    %div3A_218 = arith.divf %mul3A_213, %sub3A_217 : vector<128x2048xf32>
    %iota3A_219 = tpu.iota {dimensions = array<i32: 0>} : vector<128x1xi32>
    %add3A_220 = arith.constant 128 : i32
    %add3A_221 = vector.broadcast %add3A_220 : i32 to vector<128x1xi32>
    %add3A_222 = arith.addi %add3A_221, %iota3A_219 : vector<128x1xi32>
    %gt3A_223 = arith.constant 0.699999988 : f32
    %gt3A_224 = vector.broadcast %gt3A_223 : f32 to vector<128x2048xf32>
    %gt3A_225 = arith.cmpf ogt, %div3A_218, %gt3A_224 : vector<128x2048xf32>
    %gt3A_226 = vector.broadcast %iota3A : vector<1x2048xi32> to vector<128x2048xi32>
    %gt3A_227 = vector.broadcast %add3A_222 : vector<128x1xi32> to vector<128x2048xi32>
    %gt3A_228 = arith.cmpi sgt, %gt3A_226, %gt3A_227 : vector<128x2048xi32>
    %and3A_229 = arith.andi %gt3A_225, %gt3A_228 : vector<128x2048xi1>
    %and3A_230 = vector.broadcast %lt3A_115 : vector<1x2048xi1> to vector<128x2048xi1>
    %and3A_231 = arith.andi %and3A_229, %and3A_230 : vector<128x2048xi1>
    %lt3A_232 = arith.constant 2000 : i32
    %lt3A_233 = vector.broadcast %lt3A_232 : i32 to vector<128x1xi32>
    %lt3A_234 = arith.cmpi slt, %add3A_222, %lt3A_233 : vector<128x1xi32>
    %and3A_235 = vector.broadcast %lt3A_234 : vector<128x1xi1> to vector<128x2048xi1>
    %and3A_236 = arith.andi %and3A_231, %and3A_235 : vector<128x2048xi1>
    %convert_element_type3A_237 = arith.extui %and3A_236 : vector<128x2048xi1> to vector<128x2048xi32>
    %convert_element_type3A_238 = arith.sitofp %convert_element_type3A_237 : vector<128x2048xi32> to vector<128x2048xf32>
    %convert_element_type3A_239 = arith.truncf %convert_element_type3A_238 : vector<128x2048xf32> to vector<128x2048xbf16>
    %swap3A_240 = arith.constant 128 : index
    %swap3A_241 = arith.constant 0 : index
    %swap3A_242 = vector.load %arg6[%swap3A_240, %swap3A_241] : memref<2048x2048xbf16, #tpu.memory_space<vmem>>, vector<128x2048xbf16>
    tpu.vector_store %arg6[%swap3A_240, %swap3A_241], %convert_element_type3A_239 {strides = array<i32>} : memref<2048x2048xbf16, #tpu.memory_space<vmem>>, vector<128x2048xbf16>,
    %get3A_243 = arith.constant 256 : index
    %get3A_244 = arith.constant 0 : index
    %get3A_245 = vector.load %arg7[%get3A_243, %get3A_244] : memref<2048x8xf32, #tpu.memory_space<vmem>>, vector<128x8xf32>
    %slice3A_246 = vector.extract_strided_slice %get3A_245 {offsets = [0, 0], sizes = [128, 1], strides = [1, 1]} : vector<128x8xf32> to vector<128x1xf32>
    %slice3A_247 = vector.extract_strided_slice %get3A_245 {offsets = [0, 1], sizes = [128, 1], strides = [1, 1]} : vector<128x8xf32> to vector<128x1xf32>
    %slice3A_248 = vector.extract_strided_slice %get3A_245 {offsets = [0, 2], sizes = [128, 1], strides = [1, 1]} : vector<128x8xf32> to vector<128x1xf32>
    %slice3A_249 = vector.extract_strided_slice %get3A_245 {offsets = [0, 3], sizes = [128, 1], strides = [1, 1]} : vector<128x8xf32> to vector<128x1xf32>
    %slice3A_250 = vector.extract_strided_slice %get3A_245 {offsets = [0, 5], sizes = [128, 1], strides = [1, 1]} : vector<128x8xf32> to vector<128x1xf32>
    %max3A_251 = vector.broadcast %slice3A_246 : vector<128x1xf32> to vector<128x2048xf32>
    %max3A_252 = vector.broadcast %min3A_83 : vector<1x2048xf32> to vector<128x2048xf32>
    %max3A_253 = arith.maximumf %max3A_251, %max3A_252 : vector<128x2048xf32>
    %max3A_254 = vector.broadcast %slice3A_247 : vector<128x1xf32> to vector<128x2048xf32>
    %max3A_255 = vector.broadcast %min3A_90 : vector<1x2048xf32> to vector<128x2048xf32>
    %max3A_256 = arith.maximumf %max3A_254, %max3A_255 : vector<128x2048xf32>
    %min3A_257 = vector.broadcast %slice3A_248 : vector<128x1xf32> to vector<128x2048xf32>
    %min3A_258 = vector.broadcast %min3A_97 : vector<1x2048xf32> to vector<128x2048xf32>
    %min3A_259 = arith.minimumf %min3A_257, %min3A_258 : vector<128x2048xf32>
    %min3A_260 = vector.broadcast %slice3A_249 : vector<128x1xf32> to vector<128x2048xf32>
    %min3A_261 = vector.broadcast %min3A_104 : vector<1x2048xf32> to vector<128x2048xf32>
    %min3A_262 = arith.minimumf %min3A_260, %min3A_261 : vector<128x2048xf32>
    %sub3A_263 = arith.subf %min3A_259, %max3A_253 : vector<128x2048xf32>
    %add3A_264 = arith.constant 1.000000e+00 : f32
    %add3A_265 = vector.broadcast %add3A_264 : f32 to vector<128x2048xf32>
    %add3A_266 = arith.addf %sub3A_263, %add3A_265 : vector<128x2048xf32>
    %max3A_267 = arith.constant 0.000000e+00 : f32
    %max3A_268 = vector.broadcast %max3A_267 : f32 to vector<128x2048xf32>
    %max3A_269 = arith.maximumf %add3A_266, %max3A_268 : vector<128x2048xf32>
    %sub3A_270 = arith.subf %min3A_262, %max3A_256 : vector<128x2048xf32>
    %add3A_271 = arith.constant 1.000000e+00 : f32
    %add3A_272 = vector.broadcast %add3A_271 : f32 to vector<128x2048xf32>
    %add3A_273 = arith.addf %sub3A_270, %add3A_272 : vector<128x2048xf32>
    %max3A_274 = arith.constant 0.000000e+00 : f32
    %max3A_275 = vector.broadcast %max3A_274 : f32 to vector<128x2048xf32>
    %max3A_276 = arith.maximumf %add3A_273, %max3A_275 : vector<128x2048xf32>
    %mul3A_277 = arith.mulf %max3A_269, %max3A_276 : vector<128x2048xf32>
    %add3A_278 = vector.broadcast %slice3A_250 : vector<128x1xf32> to vector<128x2048xf32>
    %add3A_279 = vector.broadcast %mul3A_113 : vector<1x2048xf32> to vector<128x2048xf32>
    %add3A_280 = arith.addf %add3A_278, %add3A_279 : vector<128x2048xf32>
    %sub3A_281 = arith.subf %add3A_280, %mul3A_277 : vector<128x2048xf32>
    %div3A_282 = arith.divf %mul3A_277, %sub3A_281 : vector<128x2048xf32>
    %iota3A_283 = tpu.iota {dimensions = array<i32: 0>} : vector<128x1xi32>
    %add3A_284 = arith.constant 256 : i32
    %add3A_285 = vector.broadcast %add3A_284 : i32 to vector<128x1xi32>
    %add3A_286 = arith.addi %add3A_285, %iota3A_283 : vector<128x1xi32>
    %gt3A_287 = arith.constant 0.699999988 : f32
    %gt3A_288 = vector.broadcast %gt3A_287 : f32 to vector<128x2048xf32>
    %gt3A_289 = arith.cmpf ogt, %div3A_282, %gt3A_288 : vector<128x2048xf32>
    %gt3A_290 = vector.broadcast %iota3A : vector<1x2048xi32> to vector<128x2048xi32>
    %gt3A_291 = vector.broadcast %add3A_286 : vector<128x1xi32> to vector<128x2048xi32>
    %gt3A_292 = arith.cmpi sgt, %gt3A_290, %gt3A_291 : vector<128x2048xi32>
    %and3A_293 = arith.andi %gt3A_289, %gt3A_292 : vector<128x2048xi1>
    %and3A_294 = vector.broadcast %lt3A_115 : vector<1x2048xi1> to vector<128x2048xi1>
    %and3A_295 = arith.andi %and3A_293, %and3A_294 : vector<128x2048xi1>
    %lt3A_296 = arith.constant 2000 : i32
    %lt3A_297 = vector.broadcast %lt3A_296 : i32 to vector<128x1xi32>
    %lt3A_298 = arith.cmpi slt, %add3A_286, %lt3A_297 : vector<128x1xi32>
    %and3A_299 = vector.broadcast %lt3A_298 : vector<128x1xi1> to vector<128x2048xi1>
    %and3A_300 = arith.andi %and3A_295, %and3A_299 : vector<128x2048xi1>
    %convert_element_type3A_301 = arith.extui %and3A_300 : vector<128x2048xi1> to vector<128x2048xi32>
    %convert_element_type3A_302 = arith.sitofp %convert_element_type3A_301 : vector<128x2048xi32> to vector<128x2048xf32>
    %convert_element_type3A_303 = arith.truncf %convert_element_type3A_302 : vector<128x2048xf32> to vector<128x2048xbf16>
    %swap3A_304 = arith.constant 256 : index
    %swap3A_305 = arith.constant 0 : index
    %swap3A_306 = vector.load %arg6[%swap3A_304, %swap3A_305] : memref<2048x2048xbf16, #tpu.memory_space<vmem>>, vector<128x2048xbf16>
    tpu.vector_store %arg6[%swap3A_304, %swap3A_305], %convert_element_type3A_303 {strides = array<i32>} : memref<2048x2048xbf16, #tpu.memory_space<vmem>>, vector<128x2048xbf16>,
    %get3A_307 = arith.constant 384 : index
    %get3A_308 = arith.constant 0 : index
    %get3A_309 = vector.load %arg7[%get3A_307, %get3A_308] : memref<2048x8xf32, #tpu.memory_space<vmem>>, vector<128x8xf32>
    %slice3A_310 = vector.extract_strided_slice %get3A_309 {offsets = [0, 0], sizes = [128, 1], strides = [1, 1]} : vector<128x8xf32> to vector<128x1xf32>
    %slice3A_311 = vector.extract_strided_slice %get3A_309 {offsets = [0, 1], sizes = [128, 1], strides = [1, 1]} : vector<128x8xf32> to vector<128x1xf32>
    %slice3A_312 = vector.extract_strided_slice %get3A_309 {offsets = [0, 2], sizes = [128, 1], strides = [1, 1]} : vector<128x8xf32> to vector<128x1xf32>
    %slice3A_313 = vector.extract_strided_slice %get3A_309 {offsets = [0, 3], sizes = [128, 1], strides = [1, 1]} : vector<128x8xf32> to vector<128x1xf32>
    %slice3A_314 = vector.extract_strided_slice %get3A_309 {offsets = [0, 5], sizes = [128, 1], strides = [1, 1]} : vector<128x8xf32> to vector<128x1xf32>
    %max3A_315 = vector.broadcast %slice3A_310 : vector<128x1xf32> to vector<128x2048xf32>
    %max3A_316 = vector.broadcast %min3A_83 : vector<1x2048xf32> to vector<128x2048xf32>
    %max3A_317 = arith.maximumf %max3A_315, %max3A_316 : vector<128x2048xf32>
    %max3A_318 = vector.broadcast %slice3A_311 : vector<128x1xf32> to vector<128x2048xf32>
    %max3A_319 = vector.broadcast %min3A_90 : vector<1x2048xf32> to vector<128x2048xf32>
    %max3A_320 = arith.maximumf %max3A_318, %max3A_319 : vector<128x2048xf32>
    %min3A_321 = vector.broadcast %slice3A_312 : vector<128x1xf32> to vector<128x2048xf32>
    %min3A_322 = vector.broadcast %min3A_97 : vector<1x2048xf32> to vector<128x2048xf32>
    %min3A_323 = arith.minimumf %min3A_321, %min3A_322 : vector<128x2048xf32>
    %min3A_324 = vector.broadcast %slice3A_313 : vector<128x1xf32> to vector<128x2048xf32>
    %min3A_325 = vector.broadcast %min3A_104 : vector<1x2048xf32> to vector<128x2048xf32>
    %min3A_326 = arith.minimumf %min3A_324, %min3A_325 : vector<128x2048xf32>
    %sub3A_327 = arith.subf %min3A_323, %max3A_317 : vector<128x2048xf32>
    %add3A_328 = arith.constant 1.000000e+00 : f32
    %add3A_329 = vector.broadcast %add3A_328 : f32 to vector<128x2048xf32>
    %add3A_330 = arith.addf %sub3A_327, %add3A_329 : vector<128x2048xf32>
    %max3A_331 = arith.constant 0.000000e+00 : f32
    %max3A_332 = vector.broadcast %max3A_331 : f32 to vector<128x2048xf32>
    %max3A_333 = arith.maximumf %add3A_330, %max3A_332 : vector<128x2048xf32>
    %sub3A_334 = arith.subf %min3A_326, %max3A_320 : vector<128x2048xf32>
    %add3A_335 = arith.constant 1.000000e+00 : f32
    %add3A_336 = vector.broadcast %add3A_335 : f32 to vector<128x2048xf32>
    %add3A_337 = arith.addf %sub3A_334, %add3A_336 : vector<128x2048xf32>
    %max3A_338 = arith.constant 0.000000e+00 : f32
    %max3A_339 = vector.broadcast %max3A_338 : f32 to vector<128x2048xf32>
    %max3A_340 = arith.maximumf %add3A_337, %max3A_339 : vector<128x2048xf32>
    %mul3A_341 = arith.mulf %max3A_333, %max3A_340 : vector<128x2048xf32>
    %add3A_342 = vector.broadcast %slice3A_314 : vector<128x1xf32> to vector<128x2048xf32>
    %add3A_343 = vector.broadcast %mul3A_113 : vector<1x2048xf32> to vector<128x2048xf32>
    %add3A_344 = arith.addf %add3A_342, %add3A_343 : vector<128x2048xf32>
    %sub3A_345 = arith.subf %add3A_344, %mul3A_341 : vector<128x2048xf32>
    %div3A_346 = arith.divf %mul3A_341, %sub3A_345 : vector<128x2048xf32>
    %iota3A_347 = tpu.iota {dimensions = array<i32: 0>} : vector<128x1xi32>
    %add3A_348 = arith.constant 384 : i32
    %add3A_349 = vector.broadcast %add3A_348 : i32 to vector<128x1xi32>
    %add3A_350 = arith.addi %add3A_349, %iota3A_347 : vector<128x1xi32>
    %gt3A_351 = arith.constant 0.699999988 : f32
    %gt3A_352 = vector.broadcast %gt3A_351 : f32 to vector<128x2048xf32>
    %gt3A_353 = arith.cmpf ogt, %div3A_346, %gt3A_352 : vector<128x2048xf32>
    %gt3A_354 = vector.broadcast %iota3A : vector<1x2048xi32> to vector<128x2048xi32>
    %gt3A_355 = vector.broadcast %add3A_350 : vector<128x1xi32> to vector<128x2048xi32>
    %gt3A_356 = arith.cmpi sgt, %gt3A_354, %gt3A_355 : vector<128x2048xi32>
    %and3A_357 = arith.andi %gt3A_353, %gt3A_356 : vector<128x2048xi1>
    %and3A_358 = vector.broadcast %lt3A_115 : vector<1x2048xi1> to vector<128x2048xi1>
    %and3A_359 = arith.andi %and3A_357, %and3A_358 : vector<128x2048xi1>
    %lt3A_360 = arith.constant 2000 : i32
    %lt3A_361 = vector.broadcast %lt3A_360 : i32 to vector<128x1xi32>
    %lt3A_362 = arith.cmpi slt, %add3A_350, %lt3A_361 : vector<128x1xi32>
    %and3A_363 = vector.broadcast %lt3A_362 : vector<128x1xi1> to vector<128x2048xi1>
    %and3A_364 = arith.andi %and3A_359, %and3A_363 : vector<128x2048xi1>
    %convert_element_type3A_365 = arith.extui %and3A_364 : vector<128x2048xi1> to vector<128x2048xi32>
    %convert_element_type3A_366 = arith.sitofp %convert_element_type3A_365 : vector<128x2048xi32> to vector<128x2048xf32>
    %convert_element_type3A_367 = arith.truncf %convert_element_type3A_366 : vector<128x2048xf32> to vector<128x2048xbf16>
    %swap3A_368 = arith.constant 384 : index
    %swap3A_369 = arith.constant 0 : index
    %swap3A_370 = vector.load %arg6[%swap3A_368, %swap3A_369] : memref<2048x2048xbf16, #tpu.memory_space<vmem>>, vector<128x2048xbf16>
    tpu.vector_store %arg6[%swap3A_368, %swap3A_369], %convert_element_type3A_367 {strides = array<i32>} : memref<2048x2048xbf16, #tpu.memory_space<vmem>>, vector<128x2048xbf16>,
    %get3A_371 = arith.constant 512 : index
    %get3A_372 = arith.constant 0 : index
    %get3A_373 = vector.load %arg7[%get3A_371, %get3A_372] : memref<2048x8xf32, #tpu.memory_space<vmem>>, vector<128x8xf32>
    %slice3A_374 = vector.extract_strided_slice %get3A_373 {offsets = [0, 0], sizes = [128, 1], strides = [1, 1]} : vector<128x8xf32> to vector<128x1xf32>
    %slice3A_375 = vector.extract_strided_slice %get3A_373 {offsets = [0, 1], sizes = [128, 1], strides = [1, 1]} : vector<128x8xf32> to vector<128x1xf32>
    %slice3A_376 = vector.extract_strided_slice %get3A_373 {offsets = [0, 2], sizes = [128, 1], strides = [1, 1]} : vector<128x8xf32> to vector<128x1xf32>
    %slice3A_377 = vector.extract_strided_slice %get3A_373 {offsets = [0, 3], sizes = [128, 1], strides = [1, 1]} : vector<128x8xf32> to vector<128x1xf32>
    %slice3A_378 = vector.extract_strided_slice %get3A_373 {offsets = [0, 5], sizes = [128, 1], strides = [1, 1]} : vector<128x8xf32> to vector<128x1xf32>
    %max3A_379 = vector.broadcast %slice3A_374 : vector<128x1xf32> to vector<128x2048xf32>
    %max3A_380 = vector.broadcast %min3A_83 : vector<1x2048xf32> to vector<128x2048xf32>
    %max3A_381 = arith.maximumf %max3A_379, %max3A_380 : vector<128x2048xf32>
    %max3A_382 = vector.broadcast %slice3A_375 : vector<128x1xf32> to vector<128x2048xf32>
    %max3A_383 = vector.broadcast %min3A_90 : vector<1x2048xf32> to vector<128x2048xf32>
    %max3A_384 = arith.maximumf %max3A_382, %max3A_383 : vector<128x2048xf32>
    %min3A_385 = vector.broadcast %slice3A_376 : vector<128x1xf32> to vector<128x2048xf32>
    %min3A_386 = vector.broadcast %min3A_97 : vector<1x2048xf32> to vector<128x2048xf32>
    %min3A_387 = arith.minimumf %min3A_385, %min3A_386 : vector<128x2048xf32>
    %min3A_388 = vector.broadcast %slice3A_377 : vector<128x1xf32> to vector<128x2048xf32>
    %min3A_389 = vector.broadcast %min3A_104 : vector<1x2048xf32> to vector<128x2048xf32>
    %min3A_390 = arith.minimumf %min3A_388, %min3A_389 : vector<128x2048xf32>
    %sub3A_391 = arith.subf %min3A_387, %max3A_381 : vector<128x2048xf32>
    %add3A_392 = arith.constant 1.000000e+00 : f32
    %add3A_393 = vector.broadcast %add3A_392 : f32 to vector<128x2048xf32>
    %add3A_394 = arith.addf %sub3A_391, %add3A_393 : vector<128x2048xf32>
    %max3A_395 = arith.constant 0.000000e+00 : f32
    %max3A_396 = vector.broadcast %max3A_395 : f32 to vector<128x2048xf32>
    %max3A_397 = arith.maximumf %add3A_394, %max3A_396 : vector<128x2048xf32>
    %sub3A_398 = arith.subf %min3A_390, %max3A_384 : vector<128x2048xf32>
    %add3A_399 = arith.constant 1.000000e+00 : f32
    %add3A_400 = vector.broadcast %add3A_399 : f32 to vector<128x2048xf32>
    %add3A_401 = arith.addf %sub3A_398, %add3A_400 : vector<128x2048xf32>
    %max3A_402 = arith.constant 0.000000e+00 : f32
    %max3A_403 = vector.broadcast %max3A_402 : f32 to vector<128x2048xf32>
    %max3A_404 = arith.maximumf %add3A_401, %max3A_403 : vector<128x2048xf32>
    %mul3A_405 = arith.mulf %max3A_397, %max3A_404 : vector<128x2048xf32>
    %add3A_406 = vector.broadcast %slice3A_378 : vector<128x1xf32> to vector<128x2048xf32>
    %add3A_407 = vector.broadcast %mul3A_113 : vector<1x2048xf32> to vector<128x2048xf32>
    %add3A_408 = arith.addf %add3A_406, %add3A_407 : vector<128x2048xf32>
    %sub3A_409 = arith.subf %add3A_408, %mul3A_405 : vector<128x2048xf32>
    %div3A_410 = arith.divf %mul3A_405, %sub3A_409 : vector<128x2048xf32>
    %iota3A_411 = tpu.iota {dimensions = array<i32: 0>} : vector<128x1xi32>
    %add3A_412 = arith.constant 512 : i32
    %add3A_413 = vector.broadcast %add3A_412 : i32 to vector<128x1xi32>
    %add3A_414 = arith.addi %add3A_413, %iota3A_411 : vector<128x1xi32>
    %gt3A_415 = arith.constant 0.699999988 : f32
    %gt3A_416 = vector.broadcast %gt3A_415 : f32 to vector<128x2048xf32>
    %gt3A_417 = arith.cmpf ogt, %div3A_410, %gt3A_416 : vector<128x2048xf32>
    %gt3A_418 = vector.broadcast %iota3A : vector<1x2048xi32> to vector<128x2048xi32>
    %gt3A_419 = vector.broadcast %add3A_414 : vector<128x1xi32> to vector<128x2048xi32>
    %gt3A_420 = arith.cmpi sgt, %gt3A_418, %gt3A_419 : vector<128x2048xi32>
    %and3A_421 = arith.andi %gt3A_417, %gt3A_420 : vector<128x2048xi1>
    %and3A_422 = vector.broadcast %lt3A_115 : vector<1x2048xi1> to vector<128x2048xi1>
    %and3A_423 = arith.andi %and3A_421, %and3A_422 : vector<128x2048xi1>
    %lt3A_424 = arith.constant 2000 : i32
    %lt3A_425 = vector.broadcast %lt3A_424 : i32 to vector<128x1xi32>
    %lt3A_426 = arith.cmpi slt, %add3A_414, %lt3A_425 : vector<128x1xi32>
    %and3A_427 = vector.broadcast %lt3A_426 : vector<128x1xi1> to vector<128x2048xi1>
    %and3A_428 = arith.andi %and3A_423, %and3A_427 : vector<128x2048xi1>
    %convert_element_type3A_429 = arith.extui %and3A_428 : vector<128x2048xi1> to vector<128x2048xi32>
    %convert_element_type3A_430 = arith.sitofp %convert_element_type3A_429 : vector<128x2048xi32> to vector<128x2048xf32>
    %convert_element_type3A_431 = arith.truncf %convert_element_type3A_430 : vector<128x2048xf32> to vector<128x2048xbf16>
    %swap3A_432 = arith.constant 512 : index
    %swap3A_433 = arith.constant 0 : index
    %swap3A_434 = vector.load %arg6[%swap3A_432, %swap3A_433] : memref<2048x2048xbf16, #tpu.memory_space<vmem>>, vector<128x2048xbf16>
    tpu.vector_store %arg6[%swap3A_432, %swap3A_433], %convert_element_type3A_431 {strides = array<i32>} : memref<2048x2048xbf16, #tpu.memory_space<vmem>>, vector<128x2048xbf16>,
    %get3A_435 = arith.constant 640 : index
    %get3A_436 = arith.constant 0 : index
    %get3A_437 = vector.load %arg7[%get3A_435, %get3A_436] : memref<2048x8xf32, #tpu.memory_space<vmem>>, vector<128x8xf32>
    %slice3A_438 = vector.extract_strided_slice %get3A_437 {offsets = [0, 0], sizes = [128, 1], strides = [1, 1]} : vector<128x8xf32> to vector<128x1xf32>
    %slice3A_439 = vector.extract_strided_slice %get3A_437 {offsets = [0, 1], sizes = [128, 1], strides = [1, 1]} : vector<128x8xf32> to vector<128x1xf32>
    %slice3A_440 = vector.extract_strided_slice %get3A_437 {offsets = [0, 2], sizes = [128, 1], strides = [1, 1]} : vector<128x8xf32> to vector<128x1xf32>
    %slice3A_441 = vector.extract_strided_slice %get3A_437 {offsets = [0, 3], sizes = [128, 1], strides = [1, 1]} : vector<128x8xf32> to vector<128x1xf32>
    %slice3A_442 = vector.extract_strided_slice %get3A_437 {offsets = [0, 5], sizes = [128, 1], strides = [1, 1]} : vector<128x8xf32> to vector<128x1xf32>
    %max3A_443 = vector.broadcast %slice3A_438 : vector<128x1xf32> to vector<128x2048xf32>
    %max3A_444 = vector.broadcast %min3A_83 : vector<1x2048xf32> to vector<128x2048xf32>
    %max3A_445 = arith.maximumf %max3A_443, %max3A_444 : vector<128x2048xf32>
    %max3A_446 = vector.broadcast %slice3A_439 : vector<128x1xf32> to vector<128x2048xf32>
    %max3A_447 = vector.broadcast %min3A_90 : vector<1x2048xf32> to vector<128x2048xf32>
    %max3A_448 = arith.maximumf %max3A_446, %max3A_447 : vector<128x2048xf32>
    %min3A_449 = vector.broadcast %slice3A_440 : vector<128x1xf32> to vector<128x2048xf32>
    %min3A_450 = vector.broadcast %min3A_97 : vector<1x2048xf32> to vector<128x2048xf32>
    %min3A_451 = arith.minimumf %min3A_449, %min3A_450 : vector<128x2048xf32>
    %min3A_452 = vector.broadcast %slice3A_441 : vector<128x1xf32> to vector<128x2048xf32>
    %min3A_453 = vector.broadcast %min3A_104 : vector<1x2048xf32> to vector<128x2048xf32>
    %min3A_454 = arith.minimumf %min3A_452, %min3A_453 : vector<128x2048xf32>
    %sub3A_455 = arith.subf %min3A_451, %max3A_445 : vector<128x2048xf32>
    %add3A_456 = arith.constant 1.000000e+00 : f32
    %add3A_457 = vector.broadcast %add3A_456 : f32 to vector<128x2048xf32>
    %add3A_458 = arith.addf %sub3A_455, %add3A_457 : vector<128x2048xf32>
    %max3A_459 = arith.constant 0.000000e+00 : f32
    %max3A_460 = vector.broadcast %max3A_459 : f32 to vector<128x2048xf32>
    %max3A_461 = arith.maximumf %add3A_458, %max3A_460 : vector<128x2048xf32>
    %sub3A_462 = arith.subf %min3A_454, %max3A_448 : vector<128x2048xf32>
    %add3A_463 = arith.constant 1.000000e+00 : f32
    %add3A_464 = vector.broadcast %add3A_463 : f32 to vector<128x2048xf32>
    %add3A_465 = arith.addf %sub3A_462, %add3A_464 : vector<128x2048xf32>
    %max3A_466 = arith.constant 0.000000e+00 : f32
    %max3A_467 = vector.broadcast %max3A_466 : f32 to vector<128x2048xf32>
    %max3A_468 = arith.maximumf %add3A_465, %max3A_467 : vector<128x2048xf32>
    %mul3A_469 = arith.mulf %max3A_461, %max3A_468 : vector<128x2048xf32>
    %add3A_470 = vector.broadcast %slice3A_442 : vector<128x1xf32> to vector<128x2048xf32>
    %add3A_471 = vector.broadcast %mul3A_113 : vector<1x2048xf32> to vector<128x2048xf32>
    %add3A_472 = arith.addf %add3A_470, %add3A_471 : vector<128x2048xf32>
    %sub3A_473 = arith.subf %add3A_472, %mul3A_469 : vector<128x2048xf32>
    %div3A_474 = arith.divf %mul3A_469, %sub3A_473 : vector<128x2048xf32>
    %iota3A_475 = tpu.iota {dimensions = array<i32: 0>} : vector<128x1xi32>
    %add3A_476 = arith.constant 640 : i32
    %add3A_477 = vector.broadcast %add3A_476 : i32 to vector<128x1xi32>
    %add3A_478 = arith.addi %add3A_477, %iota3A_475 : vector<128x1xi32>
    %gt3A_479 = arith.constant 0.699999988 : f32
    %gt3A_480 = vector.broadcast %gt3A_479 : f32 to vector<128x2048xf32>
    %gt3A_481 = arith.cmpf ogt, %div3A_474, %gt3A_480 : vector<128x2048xf32>
    %gt3A_482 = vector.broadcast %iota3A : vector<1x2048xi32> to vector<128x2048xi32>
    %gt3A_483 = vector.broadcast %add3A_478 : vector<128x1xi32> to vector<128x2048xi32>
    %gt3A_484 = arith.cmpi sgt, %gt3A_482, %gt3A_483 : vector<128x2048xi32>
    %and3A_485 = arith.andi %gt3A_481, %gt3A_484 : vector<128x2048xi1>
    %and3A_486 = vector.broadcast %lt3A_115 : vector<1x2048xi1> to vector<128x2048xi1>
    %and3A_487 = arith.andi %and3A_485, %and3A_486 : vector<128x2048xi1>
    %lt3A_488 = arith.constant 2000 : i32
    %lt3A_489 = vector.broadcast %lt3A_488 : i32 to vector<128x1xi32>
    %lt3A_490 = arith.cmpi slt, %add3A_478, %lt3A_489 : vector<128x1xi32>
    %and3A_491 = vector.broadcast %lt3A_490 : vector<128x1xi1> to vector<128x2048xi1>
    %and3A_492 = arith.andi %and3A_487, %and3A_491 : vector<128x2048xi1>
    %convert_element_type3A_493 = arith.extui %and3A_492 : vector<128x2048xi1> to vector<128x2048xi32>
    %convert_element_type3A_494 = arith.sitofp %convert_element_type3A_493 : vector<128x2048xi32> to vector<128x2048xf32>
    %convert_element_type3A_495 = arith.truncf %convert_element_type3A_494 : vector<128x2048xf32> to vector<128x2048xbf16>
    %swap3A_496 = arith.constant 640 : index
    %swap3A_497 = arith.constant 0 : index
    %swap3A_498 = vector.load %arg6[%swap3A_496, %swap3A_497] : memref<2048x2048xbf16, #tpu.memory_space<vmem>>, vector<128x2048xbf16>
    tpu.vector_store %arg6[%swap3A_496, %swap3A_497], %convert_element_type3A_495 {strides = array<i32>} : memref<2048x2048xbf16, #tpu.memory_space<vmem>>, vector<128x2048xbf16>,
    %get3A_499 = arith.constant 768 : index
    %get3A_500 = arith.constant 0 : index
    %get3A_501 = vector.load %arg7[%get3A_499, %get3A_500] : memref<2048x8xf32, #tpu.memory_space<vmem>>, vector<128x8xf32>
    %slice3A_502 = vector.extract_strided_slice %get3A_501 {offsets = [0, 0], sizes = [128, 1], strides = [1, 1]} : vector<128x8xf32> to vector<128x1xf32>
    %slice3A_503 = vector.extract_strided_slice %get3A_501 {offsets = [0, 1], sizes = [128, 1], strides = [1, 1]} : vector<128x8xf32> to vector<128x1xf32>
    %slice3A_504 = vector.extract_strided_slice %get3A_501 {offsets = [0, 2], sizes = [128, 1], strides = [1, 1]} : vector<128x8xf32> to vector<128x1xf32>
    %slice3A_505 = vector.extract_strided_slice %get3A_501 {offsets = [0, 3], sizes = [128, 1], strides = [1, 1]} : vector<128x8xf32> to vector<128x1xf32>
    %slice3A_506 = vector.extract_strided_slice %get3A_501 {offsets = [0, 5], sizes = [128, 1], strides = [1, 1]} : vector<128x8xf32> to vector<128x1xf32>
    %max3A_507 = vector.broadcast %slice3A_502 : vector<128x1xf32> to vector<128x2048xf32>
    %max3A_508 = vector.broadcast %min3A_83 : vector<1x2048xf32> to vector<128x2048xf32>
    %max3A_509 = arith.maximumf %max3A_507, %max3A_508 : vector<128x2048xf32>
    %max3A_510 = vector.broadcast %slice3A_503 : vector<128x1xf32> to vector<128x2048xf32>
    %max3A_511 = vector.broadcast %min3A_90 : vector<1x2048xf32> to vector<128x2048xf32>
    %max3A_512 = arith.maximumf %max3A_510, %max3A_511 : vector<128x2048xf32>
    %min3A_513 = vector.broadcast %slice3A_504 : vector<128x1xf32> to vector<128x2048xf32>
    %min3A_514 = vector.broadcast %min3A_97 : vector<1x2048xf32> to vector<128x2048xf32>
    %min3A_515 = arith.minimumf %min3A_513, %min3A_514 : vector<128x2048xf32>
    %min3A_516 = vector.broadcast %slice3A_505 : vector<128x1xf32> to vector<128x2048xf32>
    %min3A_517 = vector.broadcast %min3A_104 : vector<1x2048xf32> to vector<128x2048xf32>
    %min3A_518 = arith.minimumf %min3A_516, %min3A_517 : vector<128x2048xf32>
    %sub3A_519 = arith.subf %min3A_515, %max3A_509 : vector<128x2048xf32>
    %add3A_520 = arith.constant 1.000000e+00 : f32
    %add3A_521 = vector.broadcast %add3A_520 : f32 to vector<128x2048xf32>
    %add3A_522 = arith.addf %sub3A_519, %add3A_521 : vector<128x2048xf32>
    %max3A_523 = arith.constant 0.000000e+00 : f32
    %max3A_524 = vector.broadcast %max3A_523 : f32 to vector<128x2048xf32>
    %max3A_525 = arith.maximumf %add3A_522, %max3A_524 : vector<128x2048xf32>
    %sub3A_526 = arith.subf %min3A_518, %max3A_512 : vector<128x2048xf32>
    %add3A_527 = arith.constant 1.000000e+00 : f32
    %add3A_528 = vector.broadcast %add3A_527 : f32 to vector<128x2048xf32>
    %add3A_529 = arith.addf %sub3A_526, %add3A_528 : vector<128x2048xf32>
    %max3A_530 = arith.constant 0.000000e+00 : f32
    %max3A_531 = vector.broadcast %max3A_530 : f32 to vector<128x2048xf32>
    %max3A_532 = arith.maximumf %add3A_529, %max3A_531 : vector<128x2048xf32>
    %mul3A_533 = arith.mulf %max3A_525, %max3A_532 : vector<128x2048xf32>
    %add3A_534 = vector.broadcast %slice3A_506 : vector<128x1xf32> to vector<128x2048xf32>
    %add3A_535 = vector.broadcast %mul3A_113 : vector<1x2048xf32> to vector<128x2048xf32>
    %add3A_536 = arith.addf %add3A_534, %add3A_535 : vector<128x2048xf32>
    %sub3A_537 = arith.subf %add3A_536, %mul3A_533 : vector<128x2048xf32>
    %div3A_538 = arith.divf %mul3A_533, %sub3A_537 : vector<128x2048xf32>
    %iota3A_539 = tpu.iota {dimensions = array<i32: 0>} : vector<128x1xi32>
    %add3A_540 = arith.constant 768 : i32
    %add3A_541 = vector.broadcast %add3A_540 : i32 to vector<128x1xi32>
    %add3A_542 = arith.addi %add3A_541, %iota3A_539 : vector<128x1xi32>
    %gt3A_543 = arith.constant 0.699999988 : f32
    %gt3A_544 = vector.broadcast %gt3A_543 : f32 to vector<128x2048xf32>
    %gt3A_545 = arith.cmpf ogt, %div3A_538, %gt3A_544 : vector<128x2048xf32>
    %gt3A_546 = vector.broadcast %iota3A : vector<1x2048xi32> to vector<128x2048xi32>
    %gt3A_547 = vector.broadcast %add3A_542 : vector<128x1xi32> to vector<128x2048xi32>
    %gt3A_548 = arith.cmpi sgt, %gt3A_546, %gt3A_547 : vector<128x2048xi32>
    %and3A_549 = arith.andi %gt3A_545, %gt3A_548 : vector<128x2048xi1>
    %and3A_550 = vector.broadcast %lt3A_115 : vector<1x2048xi1> to vector<128x2048xi1>
    %and3A_551 = arith.andi %and3A_549, %and3A_550 : vector<128x2048xi1>
    %lt3A_552 = arith.constant 2000 : i32
    %lt3A_553 = vector.broadcast %lt3A_552 : i32 to vector<128x1xi32>
    %lt3A_554 = arith.cmpi slt, %add3A_542, %lt3A_553 : vector<128x1xi32>
    %and3A_555 = vector.broadcast %lt3A_554 : vector<128x1xi1> to vector<128x2048xi1>
    %and3A_556 = arith.andi %and3A_551, %and3A_555 : vector<128x2048xi1>
    %convert_element_type3A_557 = arith.extui %and3A_556 : vector<128x2048xi1> to vector<128x2048xi32>
    %convert_element_type3A_558 = arith.sitofp %convert_element_type3A_557 : vector<128x2048xi32> to vector<128x2048xf32>
    %convert_element_type3A_559 = arith.truncf %convert_element_type3A_558 : vector<128x2048xf32> to vector<128x2048xbf16>
    %swap3A_560 = arith.constant 768 : index
    %swap3A_561 = arith.constant 0 : index
    %swap3A_562 = vector.load %arg6[%swap3A_560, %swap3A_561] : memref<2048x2048xbf16, #tpu.memory_space<vmem>>, vector<128x2048xbf16>
    tpu.vector_store %arg6[%swap3A_560, %swap3A_561], %convert_element_type3A_559 {strides = array<i32>} : memref<2048x2048xbf16, #tpu.memory_space<vmem>>, vector<128x2048xbf16>,
    %get3A_563 = arith.constant 896 : index
    %get3A_564 = arith.constant 0 : index
    %get3A_565 = vector.load %arg7[%get3A_563, %get3A_564] : memref<2048x8xf32, #tpu.memory_space<vmem>>, vector<128x8xf32>
    %slice3A_566 = vector.extract_strided_slice %get3A_565 {offsets = [0, 0], sizes = [128, 1], strides = [1, 1]} : vector<128x8xf32> to vector<128x1xf32>
    %slice3A_567 = vector.extract_strided_slice %get3A_565 {offsets = [0, 1], sizes = [128, 1], strides = [1, 1]} : vector<128x8xf32> to vector<128x1xf32>
    %slice3A_568 = vector.extract_strided_slice %get3A_565 {offsets = [0, 2], sizes = [128, 1], strides = [1, 1]} : vector<128x8xf32> to vector<128x1xf32>
    %slice3A_569 = vector.extract_strided_slice %get3A_565 {offsets = [0, 3], sizes = [128, 1], strides = [1, 1]} : vector<128x8xf32> to vector<128x1xf32>
    %slice3A_570 = vector.extract_strided_slice %get3A_565 {offsets = [0, 5], sizes = [128, 1], strides = [1, 1]} : vector<128x8xf32> to vector<128x1xf32>
    %max3A_571 = vector.broadcast %slice3A_566 : vector<128x1xf32> to vector<128x2048xf32>
    %max3A_572 = vector.broadcast %min3A_83 : vector<1x2048xf32> to vector<128x2048xf32>
    %max3A_573 = arith.maximumf %max3A_571, %max3A_572 : vector<128x2048xf32>
    %max3A_574 = vector.broadcast %slice3A_567 : vector<128x1xf32> to vector<128x2048xf32>
    %max3A_575 = vector.broadcast %min3A_90 : vector<1x2048xf32> to vector<128x2048xf32>
    %max3A_576 = arith.maximumf %max3A_574, %max3A_575 : vector<128x2048xf32>
    %min3A_577 = vector.broadcast %slice3A_568 : vector<128x1xf32> to vector<128x2048xf32>
    %min3A_578 = vector.broadcast %min3A_97 : vector<1x2048xf32> to vector<128x2048xf32>
    %min3A_579 = arith.minimumf %min3A_577, %min3A_578 : vector<128x2048xf32>
    %min3A_580 = vector.broadcast %slice3A_569 : vector<128x1xf32> to vector<128x2048xf32>
    %min3A_581 = vector.broadcast %min3A_104 : vector<1x2048xf32> to vector<128x2048xf32>
    %min3A_582 = arith.minimumf %min3A_580, %min3A_581 : vector<128x2048xf32>
    %sub3A_583 = arith.subf %min3A_579, %max3A_573 : vector<128x2048xf32>
    %add3A_584 = arith.constant 1.000000e+00 : f32
    %add3A_585 = vector.broadcast %add3A_584 : f32 to vector<128x2048xf32>
    %add3A_586 = arith.addf %sub3A_583, %add3A_585 : vector<128x2048xf32>
    %max3A_587 = arith.constant 0.000000e+00 : f32
    %max3A_588 = vector.broadcast %max3A_587 : f32 to vector<128x2048xf32>
    %max3A_589 = arith.maximumf %add3A_586, %max3A_588 : vector<128x2048xf32>
    %sub3A_590 = arith.subf %min3A_582, %max3A_576 : vector<128x2048xf32>
    %add3A_591 = arith.constant 1.000000e+00 : f32
    %add3A_592 = vector.broadcast %add3A_591 : f32 to vector<128x2048xf32>
    %add3A_593 = arith.addf %sub3A_590, %add3A_592 : vector<128x2048xf32>
    %max3A_594 = arith.constant 0.000000e+00 : f32
    %max3A_595 = vector.broadcast %max3A_594 : f32 to vector<128x2048xf32>
    %max3A_596 = arith.maximumf %add3A_593, %max3A_595 : vector<128x2048xf32>
    %mul3A_597 = arith.mulf %max3A_589, %max3A_596 : vector<128x2048xf32>
    %add3A_598 = vector.broadcast %slice3A_570 : vector<128x1xf32> to vector<128x2048xf32>
    %add3A_599 = vector.broadcast %mul3A_113 : vector<1x2048xf32> to vector<128x2048xf32>
    %add3A_600 = arith.addf %add3A_598, %add3A_599 : vector<128x2048xf32>
    %sub3A_601 = arith.subf %add3A_600, %mul3A_597 : vector<128x2048xf32>
    %div3A_602 = arith.divf %mul3A_597, %sub3A_601 : vector<128x2048xf32>
    %iota3A_603 = tpu.iota {dimensions = array<i32: 0>} : vector<128x1xi32>
    %add3A_604 = arith.constant 896 : i32
    %add3A_605 = vector.broadcast %add3A_604 : i32 to vector<128x1xi32>
    %add3A_606 = arith.addi %add3A_605, %iota3A_603 : vector<128x1xi32>
    %gt3A_607 = arith.constant 0.699999988 : f32
    %gt3A_608 = vector.broadcast %gt3A_607 : f32 to vector<128x2048xf32>
    %gt3A_609 = arith.cmpf ogt, %div3A_602, %gt3A_608 : vector<128x2048xf32>
    %gt3A_610 = vector.broadcast %iota3A : vector<1x2048xi32> to vector<128x2048xi32>
    %gt3A_611 = vector.broadcast %add3A_606 : vector<128x1xi32> to vector<128x2048xi32>
    %gt3A_612 = arith.cmpi sgt, %gt3A_610, %gt3A_611 : vector<128x2048xi32>
    %and3A_613 = arith.andi %gt3A_609, %gt3A_612 : vector<128x2048xi1>
    %and3A_614 = vector.broadcast %lt3A_115 : vector<1x2048xi1> to vector<128x2048xi1>
    %and3A_615 = arith.andi %and3A_613, %and3A_614 : vector<128x2048xi1>
    %lt3A_616 = arith.constant 2000 : i32
    %lt3A_617 = vector.broadcast %lt3A_616 : i32 to vector<128x1xi32>
    %lt3A_618 = arith.cmpi slt, %add3A_606, %lt3A_617 : vector<128x1xi32>
    %and3A_619 = vector.broadcast %lt3A_618 : vector<128x1xi1> to vector<128x2048xi1>
    %and3A_620 = arith.andi %and3A_615, %and3A_619 : vector<128x2048xi1>
    %convert_element_type3A_621 = arith.extui %and3A_620 : vector<128x2048xi1> to vector<128x2048xi32>
    %convert_element_type3A_622 = arith.sitofp %convert_element_type3A_621 : vector<128x2048xi32> to vector<128x2048xf32>
    %convert_element_type3A_623 = arith.truncf %convert_element_type3A_622 : vector<128x2048xf32> to vector<128x2048xbf16>
    %swap3A_624 = arith.constant 896 : index
    %swap3A_625 = arith.constant 0 : index
    %swap3A_626 = vector.load %arg6[%swap3A_624, %swap3A_625] : memref<2048x2048xbf16, #tpu.memory_space<vmem>>, vector<128x2048xbf16>
    tpu.vector_store %arg6[%swap3A_624, %swap3A_625], %convert_element_type3A_623 {strides = array<i32>} : memref<2048x2048xbf16, #tpu.memory_space<vmem>>, vector<128x2048xbf16>,
    %get3A_627 = arith.constant 1024 : index
    %get3A_628 = arith.constant 0 : index
    %get3A_629 = vector.load %arg7[%get3A_627, %get3A_628] : memref<2048x8xf32, #tpu.memory_space<vmem>>, vector<128x8xf32>
    %slice3A_630 = vector.extract_strided_slice %get3A_629 {offsets = [0, 0], sizes = [128, 1], strides = [1, 1]} : vector<128x8xf32> to vector<128x1xf32>
    %slice3A_631 = vector.extract_strided_slice %get3A_629 {offsets = [0, 1], sizes = [128, 1], strides = [1, 1]} : vector<128x8xf32> to vector<128x1xf32>
    %slice3A_632 = vector.extract_strided_slice %get3A_629 {offsets = [0, 2], sizes = [128, 1], strides = [1, 1]} : vector<128x8xf32> to vector<128x1xf32>
    %slice3A_633 = vector.extract_strided_slice %get3A_629 {offsets = [0, 3], sizes = [128, 1], strides = [1, 1]} : vector<128x8xf32> to vector<128x1xf32>
    %slice3A_634 = vector.extract_strided_slice %get3A_629 {offsets = [0, 5], sizes = [128, 1], strides = [1, 1]} : vector<128x8xf32> to vector<128x1xf32>
    %max3A_635 = vector.broadcast %slice3A_630 : vector<128x1xf32> to vector<128x2048xf32>
    %max3A_636 = vector.broadcast %min3A_83 : vector<1x2048xf32> to vector<128x2048xf32>
    %max3A_637 = arith.maximumf %max3A_635, %max3A_636 : vector<128x2048xf32>
    %max3A_638 = vector.broadcast %slice3A_631 : vector<128x1xf32> to vector<128x2048xf32>
    %max3A_639 = vector.broadcast %min3A_90 : vector<1x2048xf32> to vector<128x2048xf32>
    %max3A_640 = arith.maximumf %max3A_638, %max3A_639 : vector<128x2048xf32>
    %min3A_641 = vector.broadcast %slice3A_632 : vector<128x1xf32> to vector<128x2048xf32>
    %min3A_642 = vector.broadcast %min3A_97 : vector<1x2048xf32> to vector<128x2048xf32>
    %min3A_643 = arith.minimumf %min3A_641, %min3A_642 : vector<128x2048xf32>
    %min3A_644 = vector.broadcast %slice3A_633 : vector<128x1xf32> to vector<128x2048xf32>
    %min3A_645 = vector.broadcast %min3A_104 : vector<1x2048xf32> to vector<128x2048xf32>
    %min3A_646 = arith.minimumf %min3A_644, %min3A_645 : vector<128x2048xf32>
    %sub3A_647 = arith.subf %min3A_643, %max3A_637 : vector<128x2048xf32>
    %add3A_648 = arith.constant 1.000000e+00 : f32
    %add3A_649 = vector.broadcast %add3A_648 : f32 to vector<128x2048xf32>
    %add3A_650 = arith.addf %sub3A_647, %add3A_649 : vector<128x2048xf32>
    %max3A_651 = arith.constant 0.000000e+00 : f32
    %max3A_652 = vector.broadcast %max3A_651 : f32 to vector<128x2048xf32>
    %max3A_653 = arith.maximumf %add3A_650, %max3A_652 : vector<128x2048xf32>
    %sub3A_654 = arith.subf %min3A_646, %max3A_640 : vector<128x2048xf32>
    %add3A_655 = arith.constant 1.000000e+00 : f32
    %add3A_656 = vector.broadcast %add3A_655 : f32 to vector<128x2048xf32>
    %add3A_657 = arith.addf %sub3A_654, %add3A_656 : vector<128x2048xf32>
    %max3A_658 = arith.constant 0.000000e+00 : f32
    %max3A_659 = vector.broadcast %max3A_658 : f32 to vector<128x2048xf32>
    %max3A_660 = arith.maximumf %add3A_657, %max3A_659 : vector<128x2048xf32>
    %mul3A_661 = arith.mulf %max3A_653, %max3A_660 : vector<128x2048xf32>
    %add3A_662 = vector.broadcast %slice3A_634 : vector<128x1xf32> to vector<128x2048xf32>
    %add3A_663 = vector.broadcast %mul3A_113 : vector<1x2048xf32> to vector<128x2048xf32>
    %add3A_664 = arith.addf %add3A_662, %add3A_663 : vector<128x2048xf32>
    %sub3A_665 = arith.subf %add3A_664, %mul3A_661 : vector<128x2048xf32>
    %div3A_666 = arith.divf %mul3A_661, %sub3A_665 : vector<128x2048xf32>
    %iota3A_667 = tpu.iota {dimensions = array<i32: 0>} : vector<128x1xi32>
    %add3A_668 = arith.constant 1024 : i32
    %add3A_669 = vector.broadcast %add3A_668 : i32 to vector<128x1xi32>
    %add3A_670 = arith.addi %add3A_669, %iota3A_667 : vector<128x1xi32>
    %gt3A_671 = arith.constant 0.699999988 : f32
    %gt3A_672 = vector.broadcast %gt3A_671 : f32 to vector<128x2048xf32>
    %gt3A_673 = arith.cmpf ogt, %div3A_666, %gt3A_672 : vector<128x2048xf32>
    %gt3A_674 = vector.broadcast %iota3A : vector<1x2048xi32> to vector<128x2048xi32>
    %gt3A_675 = vector.broadcast %add3A_670 : vector<128x1xi32> to vector<128x2048xi32>
    %gt3A_676 = arith.cmpi sgt, %gt3A_674, %gt3A_675 : vector<128x2048xi32>
    %and3A_677 = arith.andi %gt3A_673, %gt3A_676 : vector<128x2048xi1>
    %and3A_678 = vector.broadcast %lt3A_115 : vector<1x2048xi1> to vector<128x2048xi1>
    %and3A_679 = arith.andi %and3A_677, %and3A_678 : vector<128x2048xi1>
    %lt3A_680 = arith.constant 2000 : i32
    %lt3A_681 = vector.broadcast %lt3A_680 : i32 to vector<128x1xi32>
    %lt3A_682 = arith.cmpi slt, %add3A_670, %lt3A_681 : vector<128x1xi32>
    %and3A_683 = vector.broadcast %lt3A_682 : vector<128x1xi1> to vector<128x2048xi1>
    %and3A_684 = arith.andi %and3A_679, %and3A_683 : vector<128x2048xi1>
    %convert_element_type3A_685 = arith.extui %and3A_684 : vector<128x2048xi1> to vector<128x2048xi32>
    %convert_element_type3A_686 = arith.sitofp %convert_element_type3A_685 : vector<128x2048xi32> to vector<128x2048xf32>
    %convert_element_type3A_687 = arith.truncf %convert_element_type3A_686 : vector<128x2048xf32> to vector<128x2048xbf16>
    %swap3A_688 = arith.constant 1024 : index
    %swap3A_689 = arith.constant 0 : index
    %swap3A_690 = vector.load %arg6[%swap3A_688, %swap3A_689] : memref<2048x2048xbf16, #tpu.memory_space<vmem>>, vector<128x2048xbf16>
    tpu.vector_store %arg6[%swap3A_688, %swap3A_689], %convert_element_type3A_687 {strides = array<i32>} : memref<2048x2048xbf16, #tpu.memory_space<vmem>>, vector<128x2048xbf16>,
    %get3A_691 = arith.constant 1152 : index
    %get3A_692 = arith.constant 0 : index
    %get3A_693 = vector.load %arg7[%get3A_691, %get3A_692] : memref<2048x8xf32, #tpu.memory_space<vmem>>, vector<128x8xf32>
    %slice3A_694 = vector.extract_strided_slice %get3A_693 {offsets = [0, 0], sizes = [128, 1], strides = [1, 1]} : vector<128x8xf32> to vector<128x1xf32>
    %slice3A_695 = vector.extract_strided_slice %get3A_693 {offsets = [0, 1], sizes = [128, 1], strides = [1, 1]} : vector<128x8xf32> to vector<128x1xf32>
    %slice3A_696 = vector.extract_strided_slice %get3A_693 {offsets = [0, 2], sizes = [128, 1], strides = [1, 1]} : vector<128x8xf32> to vector<128x1xf32>
    %slice3A_697 = vector.extract_strided_slice %get3A_693 {offsets = [0, 3], sizes = [128, 1], strides = [1, 1]} : vector<128x8xf32> to vector<128x1xf32>
    %slice3A_698 = vector.extract_strided_slice %get3A_693 {offsets = [0, 5], sizes = [128, 1], strides = [1, 1]} : vector<128x8xf32> to vector<128x1xf32>
    %max3A_699 = vector.broadcast %slice3A_694 : vector<128x1xf32> to vector<128x2048xf32>
    %max3A_700 = vector.broadcast %min3A_83 : vector<1x2048xf32> to vector<128x2048xf32>
    %max3A_701 = arith.maximumf %max3A_699, %max3A_700 : vector<128x2048xf32>
    %max3A_702 = vector.broadcast %slice3A_695 : vector<128x1xf32> to vector<128x2048xf32>
    %max3A_703 = vector.broadcast %min3A_90 : vector<1x2048xf32> to vector<128x2048xf32>
    %max3A_704 = arith.maximumf %max3A_702, %max3A_703 : vector<128x2048xf32>
    %min3A_705 = vector.broadcast %slice3A_696 : vector<128x1xf32> to vector<128x2048xf32>
    %min3A_706 = vector.broadcast %min3A_97 : vector<1x2048xf32> to vector<128x2048xf32>
    %min3A_707 = arith.minimumf %min3A_705, %min3A_706 : vector<128x2048xf32>
    %min3A_708 = vector.broadcast %slice3A_697 : vector<128x1xf32> to vector<128x2048xf32>
    %min3A_709 = vector.broadcast %min3A_104 : vector<1x2048xf32> to vector<128x2048xf32>
    %min3A_710 = arith.minimumf %min3A_708, %min3A_709 : vector<128x2048xf32>
    %sub3A_711 = arith.subf %min3A_707, %max3A_701 : vector<128x2048xf32>
    %add3A_712 = arith.constant 1.000000e+00 : f32
    %add3A_713 = vector.broadcast %add3A_712 : f32 to vector<128x2048xf32>
    %add3A_714 = arith.addf %sub3A_711, %add3A_713 : vector<128x2048xf32>
    %max3A_715 = arith.constant 0.000000e+00 : f32
    %max3A_716 = vector.broadcast %max3A_715 : f32 to vector<128x2048xf32>
    %max3A_717 = arith.maximumf %add3A_714, %max3A_716 : vector<128x2048xf32>
    %sub3A_718 = arith.subf %min3A_710, %max3A_704 : vector<128x2048xf32>
    %add3A_719 = arith.constant 1.000000e+00 : f32
    %add3A_720 = vector.broadcast %add3A_719 : f32 to vector<128x2048xf32>
    %add3A_721 = arith.addf %sub3A_718, %add3A_720 : vector<128x2048xf32>
    %max3A_722 = arith.constant 0.000000e+00 : f32
    %max3A_723 = vector.broadcast %max3A_722 : f32 to vector<128x2048xf32>
    %max3A_724 = arith.maximumf %add3A_721, %max3A_723 : vector<128x2048xf32>
    %mul3A_725 = arith.mulf %max3A_717, %max3A_724 : vector<128x2048xf32>
    %add3A_726 = vector.broadcast %slice3A_698 : vector<128x1xf32> to vector<128x2048xf32>
    %add3A_727 = vector.broadcast %mul3A_113 : vector<1x2048xf32> to vector<128x2048xf32>
    %add3A_728 = arith.addf %add3A_726, %add3A_727 : vector<128x2048xf32>
    %sub3A_729 = arith.subf %add3A_728, %mul3A_725 : vector<128x2048xf32>
    %div3A_730 = arith.divf %mul3A_725, %sub3A_729 : vector<128x2048xf32>
    %iota3A_731 = tpu.iota {dimensions = array<i32: 0>} : vector<128x1xi32>
    %add3A_732 = arith.constant 1152 : i32
    %add3A_733 = vector.broadcast %add3A_732 : i32 to vector<128x1xi32>
    %add3A_734 = arith.addi %add3A_733, %iota3A_731 : vector<128x1xi32>
    %gt3A_735 = arith.constant 0.699999988 : f32
    %gt3A_736 = vector.broadcast %gt3A_735 : f32 to vector<128x2048xf32>
    %gt3A_737 = arith.cmpf ogt, %div3A_730, %gt3A_736 : vector<128x2048xf32>
    %gt3A_738 = vector.broadcast %iota3A : vector<1x2048xi32> to vector<128x2048xi32>
    %gt3A_739 = vector.broadcast %add3A_734 : vector<128x1xi32> to vector<128x2048xi32>
    %gt3A_740 = arith.cmpi sgt, %gt3A_738, %gt3A_739 : vector<128x2048xi32>
    %and3A_741 = arith.andi %gt3A_737, %gt3A_740 : vector<128x2048xi1>
    %and3A_742 = vector.broadcast %lt3A_115 : vector<1x2048xi1> to vector<128x2048xi1>
    %and3A_743 = arith.andi %and3A_741, %and3A_742 : vector<128x2048xi1>
    %lt3A_744 = arith.constant 2000 : i32
    %lt3A_745 = vector.broadcast %lt3A_744 : i32 to vector<128x1xi32>
    %lt3A_746 = arith.cmpi slt, %add3A_734, %lt3A_745 : vector<128x1xi32>
    %and3A_747 = vector.broadcast %lt3A_746 : vector<128x1xi1> to vector<128x2048xi1>
    %and3A_748 = arith.andi %and3A_743, %and3A_747 : vector<128x2048xi1>
    %convert_element_type3A_749 = arith.extui %and3A_748 : vector<128x2048xi1> to vector<128x2048xi32>
    %convert_element_type3A_750 = arith.sitofp %convert_element_type3A_749 : vector<128x2048xi32> to vector<128x2048xf32>
    %convert_element_type3A_751 = arith.truncf %convert_element_type3A_750 : vector<128x2048xf32> to vector<128x2048xbf16>
    %swap3A_752 = arith.constant 1152 : index
    %swap3A_753 = arith.constant 0 : index
    %swap3A_754 = vector.load %arg6[%swap3A_752, %swap3A_753] : memref<2048x2048xbf16, #tpu.memory_space<vmem>>, vector<128x2048xbf16>
    tpu.vector_store %arg6[%swap3A_752, %swap3A_753], %convert_element_type3A_751 {strides = array<i32>} : memref<2048x2048xbf16, #tpu.memory_space<vmem>>, vector<128x2048xbf16>,
    %get3A_755 = arith.constant 1280 : index
    %get3A_756 = arith.constant 0 : index
    %get3A_757 = vector.load %arg7[%get3A_755, %get3A_756] : memref<2048x8xf32, #tpu.memory_space<vmem>>, vector<128x8xf32>
    %slice3A_758 = vector.extract_strided_slice %get3A_757 {offsets = [0, 0], sizes = [128, 1], strides = [1, 1]} : vector<128x8xf32> to vector<128x1xf32>
    %slice3A_759 = vector.extract_strided_slice %get3A_757 {offsets = [0, 1], sizes = [128, 1], strides = [1, 1]} : vector<128x8xf32> to vector<128x1xf32>
    %slice3A_760 = vector.extract_strided_slice %get3A_757 {offsets = [0, 2], sizes = [128, 1], strides = [1, 1]} : vector<128x8xf32> to vector<128x1xf32>
    %slice3A_761 = vector.extract_strided_slice %get3A_757 {offsets = [0, 3], sizes = [128, 1], strides = [1, 1]} : vector<128x8xf32> to vector<128x1xf32>
    %slice3A_762 = vector.extract_strided_slice %get3A_757 {offsets = [0, 5], sizes = [128, 1], strides = [1, 1]} : vector<128x8xf32> to vector<128x1xf32>
    %max3A_763 = vector.broadcast %slice3A_758 : vector<128x1xf32> to vector<128x2048xf32>
    %max3A_764 = vector.broadcast %min3A_83 : vector<1x2048xf32> to vector<128x2048xf32>
    %max3A_765 = arith.maximumf %max3A_763, %max3A_764 : vector<128x2048xf32>
    %max3A_766 = vector.broadcast %slice3A_759 : vector<128x1xf32> to vector<128x2048xf32>
    %max3A_767 = vector.broadcast %min3A_90 : vector<1x2048xf32> to vector<128x2048xf32>
    %max3A_768 = arith.maximumf %max3A_766, %max3A_767 : vector<128x2048xf32>
    %min3A_769 = vector.broadcast %slice3A_760 : vector<128x1xf32> to vector<128x2048xf32>
    %min3A_770 = vector.broadcast %min3A_97 : vector<1x2048xf32> to vector<128x2048xf32>
    %min3A_771 = arith.minimumf %min3A_769, %min3A_770 : vector<128x2048xf32>
    %min3A_772 = vector.broadcast %slice3A_761 : vector<128x1xf32> to vector<128x2048xf32>
    %min3A_773 = vector.broadcast %min3A_104 : vector<1x2048xf32> to vector<128x2048xf32>
    %min3A_774 = arith.minimumf %min3A_772, %min3A_773 : vector<128x2048xf32>
    %sub3A_775 = arith.subf %min3A_771, %max3A_765 : vector<128x2048xf32>
    %add3A_776 = arith.constant 1.000000e+00 : f32
    %add3A_777 = vector.broadcast %add3A_776 : f32 to vector<128x2048xf32>
    %add3A_778 = arith.addf %sub3A_775, %add3A_777 : vector<128x2048xf32>
    %max3A_779 = arith.constant 0.000000e+00 : f32
    %max3A_780 = vector.broadcast %max3A_779 : f32 to vector<128x2048xf32>
    %max3A_781 = arith.maximumf %add3A_778, %max3A_780 : vector<128x2048xf32>
    %sub3A_782 = arith.subf %min3A_774, %max3A_768 : vector<128x2048xf32>
    %add3A_783 = arith.constant 1.000000e+00 : f32
    %add3A_784 = vector.broadcast %add3A_783 : f32 to vector<128x2048xf32>
    %add3A_785 = arith.addf %sub3A_782, %add3A_784 : vector<128x2048xf32>
    %max3A_786 = arith.constant 0.000000e+00 : f32
    %max3A_787 = vector.broadcast %max3A_786 : f32 to vector<128x2048xf32>
    %max3A_788 = arith.maximumf %add3A_785, %max3A_787 : vector<128x2048xf32>
    %mul3A_789 = arith.mulf %max3A_781, %max3A_788 : vector<128x2048xf32>
    %add3A_790 = vector.broadcast %slice3A_762 : vector<128x1xf32> to vector<128x2048xf32>
    %add3A_791 = vector.broadcast %mul3A_113 : vector<1x2048xf32> to vector<128x2048xf32>
    %add3A_792 = arith.addf %add3A_790, %add3A_791 : vector<128x2048xf32>
    %sub3A_793 = arith.subf %add3A_792, %mul3A_789 : vector<128x2048xf32>
    %div3A_794 = arith.divf %mul3A_789, %sub3A_793 : vector<128x2048xf32>
    %iota3A_795 = tpu.iota {dimensions = array<i32: 0>} : vector<128x1xi32>
    %add3A_796 = arith.constant 1280 : i32
    %add3A_797 = vector.broadcast %add3A_796 : i32 to vector<128x1xi32>
    %add3A_798 = arith.addi %add3A_797, %iota3A_795 : vector<128x1xi32>
    %gt3A_799 = arith.constant 0.699999988 : f32
    %gt3A_800 = vector.broadcast %gt3A_799 : f32 to vector<128x2048xf32>
    %gt3A_801 = arith.cmpf ogt, %div3A_794, %gt3A_800 : vector<128x2048xf32>
    %gt3A_802 = vector.broadcast %iota3A : vector<1x2048xi32> to vector<128x2048xi32>
    %gt3A_803 = vector.broadcast %add3A_798 : vector<128x1xi32> to vector<128x2048xi32>
    %gt3A_804 = arith.cmpi sgt, %gt3A_802, %gt3A_803 : vector<128x2048xi32>
    %and3A_805 = arith.andi %gt3A_801, %gt3A_804 : vector<128x2048xi1>
    %and3A_806 = vector.broadcast %lt3A_115 : vector<1x2048xi1> to vector<128x2048xi1>
    %and3A_807 = arith.andi %and3A_805, %and3A_806 : vector<128x2048xi1>
    %lt3A_808 = arith.constant 2000 : i32
    %lt3A_809 = vector.broadcast %lt3A_808 : i32 to vector<128x1xi32>
    %lt3A_810 = arith.cmpi slt, %add3A_798, %lt3A_809 : vector<128x1xi32>
    %and3A_811 = vector.broadcast %lt3A_810 : vector<128x1xi1> to vector<128x2048xi1>
    %and3A_812 = arith.andi %and3A_807, %and3A_811 : vector<128x2048xi1>
    %convert_element_type3A_813 = arith.extui %and3A_812 : vector<128x2048xi1> to vector<128x2048xi32>
    %convert_element_type3A_814 = arith.sitofp %convert_element_type3A_813 : vector<128x2048xi32> to vector<128x2048xf32>
    %convert_element_type3A_815 = arith.truncf %convert_element_type3A_814 : vector<128x2048xf32> to vector<128x2048xbf16>
    %swap3A_816 = arith.constant 1280 : index
    %swap3A_817 = arith.constant 0 : index
    %swap3A_818 = vector.load %arg6[%swap3A_816, %swap3A_817] : memref<2048x2048xbf16, #tpu.memory_space<vmem>>, vector<128x2048xbf16>
    tpu.vector_store %arg6[%swap3A_816, %swap3A_817], %convert_element_type3A_815 {strides = array<i32>} : memref<2048x2048xbf16, #tpu.memory_space<vmem>>, vector<128x2048xbf16>,
    %get3A_819 = arith.constant 1408 : index
    %get3A_820 = arith.constant 0 : index
    %get3A_821 = vector.load %arg7[%get3A_819, %get3A_820] : memref<2048x8xf32, #tpu.memory_space<vmem>>, vector<128x8xf32>
    %slice3A_822 = vector.extract_strided_slice %get3A_821 {offsets = [0, 0], sizes = [128, 1], strides = [1, 1]} : vector<128x8xf32> to vector<128x1xf32>
    %slice3A_823 = vector.extract_strided_slice %get3A_821 {offsets = [0, 1], sizes = [128, 1], strides = [1, 1]} : vector<128x8xf32> to vector<128x1xf32>
    %slice3A_824 = vector.extract_strided_slice %get3A_821 {offsets = [0, 2], sizes = [128, 1], strides = [1, 1]} : vector<128x8xf32> to vector<128x1xf32>
    %slice3A_825 = vector.extract_strided_slice %get3A_821 {offsets = [0, 3], sizes = [128, 1], strides = [1, 1]} : vector<128x8xf32> to vector<128x1xf32>
    %slice3A_826 = vector.extract_strided_slice %get3A_821 {offsets = [0, 5], sizes = [128, 1], strides = [1, 1]} : vector<128x8xf32> to vector<128x1xf32>
    %max3A_827 = vector.broadcast %slice3A_822 : vector<128x1xf32> to vector<128x2048xf32>
    %max3A_828 = vector.broadcast %min3A_83 : vector<1x2048xf32> to vector<128x2048xf32>
    %max3A_829 = arith.maximumf %max3A_827, %max3A_828 : vector<128x2048xf32>
    %max3A_830 = vector.broadcast %slice3A_823 : vector<128x1xf32> to vector<128x2048xf32>
    %max3A_831 = vector.broadcast %min3A_90 : vector<1x2048xf32> to vector<128x2048xf32>
    %max3A_832 = arith.maximumf %max3A_830, %max3A_831 : vector<128x2048xf32>
    %min3A_833 = vector.broadcast %slice3A_824 : vector<128x1xf32> to vector<128x2048xf32>
    %min3A_834 = vector.broadcast %min3A_97 : vector<1x2048xf32> to vector<128x2048xf32>
    %min3A_835 = arith.minimumf %min3A_833, %min3A_834 : vector<128x2048xf32>
    %min3A_836 = vector.broadcast %slice3A_825 : vector<128x1xf32> to vector<128x2048xf32>
    %min3A_837 = vector.broadcast %min3A_104 : vector<1x2048xf32> to vector<128x2048xf32>
    %min3A_838 = arith.minimumf %min3A_836, %min3A_837 : vector<128x2048xf32>
    %sub3A_839 = arith.subf %min3A_835, %max3A_829 : vector<128x2048xf32>
    %add3A_840 = arith.constant 1.000000e+00 : f32
    %add3A_841 = vector.broadcast %add3A_840 : f32 to vector<128x2048xf32>
    %add3A_842 = arith.addf %sub3A_839, %add3A_841 : vector<128x2048xf32>
    %max3A_843 = arith.constant 0.000000e+00 : f32
    %max3A_844 = vector.broadcast %max3A_843 : f32 to vector<128x2048xf32>
    %max3A_845 = arith.maximumf %add3A_842, %max3A_844 : vector<128x2048xf32>
    %sub3A_846 = arith.subf %min3A_838, %max3A_832 : vector<128x2048xf32>
    %add3A_847 = arith.constant 1.000000e+00 : f32
    %add3A_848 = vector.broadcast %add3A_847 : f32 to vector<128x2048xf32>
    %add3A_849 = arith.addf %sub3A_846, %add3A_848 : vector<128x2048xf32>
    %max3A_850 = arith.constant 0.000000e+00 : f32
    %max3A_851 = vector.broadcast %max3A_850 : f32 to vector<128x2048xf32>
    %max3A_852 = arith.maximumf %add3A_849, %max3A_851 : vector<128x2048xf32>
    %mul3A_853 = arith.mulf %max3A_845, %max3A_852 : vector<128x2048xf32>
    %add3A_854 = vector.broadcast %slice3A_826 : vector<128x1xf32> to vector<128x2048xf32>
    %add3A_855 = vector.broadcast %mul3A_113 : vector<1x2048xf32> to vector<128x2048xf32>
    %add3A_856 = arith.addf %add3A_854, %add3A_855 : vector<128x2048xf32>
    %sub3A_857 = arith.subf %add3A_856, %mul3A_853 : vector<128x2048xf32>
    %div3A_858 = arith.divf %mul3A_853, %sub3A_857 : vector<128x2048xf32>
    %iota3A_859 = tpu.iota {dimensions = array<i32: 0>} : vector<128x1xi32>
    %add3A_860 = arith.constant 1408 : i32
    %add3A_861 = vector.broadcast %add3A_860 : i32 to vector<128x1xi32>
    %add3A_862 = arith.addi %add3A_861, %iota3A_859 : vector<128x1xi32>
    %gt3A_863 = arith.constant 0.699999988 : f32
    %gt3A_864 = vector.broadcast %gt3A_863 : f32 to vector<128x2048xf32>
    %gt3A_865 = arith.cmpf ogt, %div3A_858, %gt3A_864 : vector<128x2048xf32>
    %gt3A_866 = vector.broadcast %iota3A : vector<1x2048xi32> to vector<128x2048xi32>
    %gt3A_867 = vector.broadcast %add3A_862 : vector<128x1xi32> to vector<128x2048xi32>
    %gt3A_868 = arith.cmpi sgt, %gt3A_866, %gt3A_867 : vector<128x2048xi32>
    %and3A_869 = arith.andi %gt3A_865, %gt3A_868 : vector<128x2048xi1>
    %and3A_870 = vector.broadcast %lt3A_115 : vector<1x2048xi1> to vector<128x2048xi1>
    %and3A_871 = arith.andi %and3A_869, %and3A_870 : vector<128x2048xi1>
    %lt3A_872 = arith.constant 2000 : i32
    %lt3A_873 = vector.broadcast %lt3A_872 : i32 to vector<128x1xi32>
    %lt3A_874 = arith.cmpi slt, %add3A_862, %lt3A_873 : vector<128x1xi32>
    %and3A_875 = vector.broadcast %lt3A_874 : vector<128x1xi1> to vector<128x2048xi1>
    %and3A_876 = arith.andi %and3A_871, %and3A_875 : vector<128x2048xi1>
    %convert_element_type3A_877 = arith.extui %and3A_876 : vector<128x2048xi1> to vector<128x2048xi32>
    %convert_element_type3A_878 = arith.sitofp %convert_element_type3A_877 : vector<128x2048xi32> to vector<128x2048xf32>
    %convert_element_type3A_879 = arith.truncf %convert_element_type3A_878 : vector<128x2048xf32> to vector<128x2048xbf16>
    %swap3A_880 = arith.constant 1408 : index
    %swap3A_881 = arith.constant 0 : index
    %swap3A_882 = vector.load %arg6[%swap3A_880, %swap3A_881] : memref<2048x2048xbf16, #tpu.memory_space<vmem>>, vector<128x2048xbf16>
    tpu.vector_store %arg6[%swap3A_880, %swap3A_881], %convert_element_type3A_879 {strides = array<i32>} : memref<2048x2048xbf16, #tpu.memory_space<vmem>>, vector<128x2048xbf16>,
    %get3A_883 = arith.constant 1536 : index
    %get3A_884 = arith.constant 0 : index
    %get3A_885 = vector.load %arg7[%get3A_883, %get3A_884] : memref<2048x8xf32, #tpu.memory_space<vmem>>, vector<128x8xf32>
    %slice3A_886 = vector.extract_strided_slice %get3A_885 {offsets = [0, 0], sizes = [128, 1], strides = [1, 1]} : vector<128x8xf32> to vector<128x1xf32>
    %slice3A_887 = vector.extract_strided_slice %get3A_885 {offsets = [0, 1], sizes = [128, 1], strides = [1, 1]} : vector<128x8xf32> to vector<128x1xf32>
    %slice3A_888 = vector.extract_strided_slice %get3A_885 {offsets = [0, 2], sizes = [128, 1], strides = [1, 1]} : vector<128x8xf32> to vector<128x1xf32>
    %slice3A_889 = vector.extract_strided_slice %get3A_885 {offsets = [0, 3], sizes = [128, 1], strides = [1, 1]} : vector<128x8xf32> to vector<128x1xf32>
    %slice3A_890 = vector.extract_strided_slice %get3A_885 {offsets = [0, 5], sizes = [128, 1], strides = [1, 1]} : vector<128x8xf32> to vector<128x1xf32>
    %max3A_891 = vector.broadcast %slice3A_886 : vector<128x1xf32> to vector<128x2048xf32>
    %max3A_892 = vector.broadcast %min3A_83 : vector<1x2048xf32> to vector<128x2048xf32>
    %max3A_893 = arith.maximumf %max3A_891, %max3A_892 : vector<128x2048xf32>
    %max3A_894 = vector.broadcast %slice3A_887 : vector<128x1xf32> to vector<128x2048xf32>
    %max3A_895 = vector.broadcast %min3A_90 : vector<1x2048xf32> to vector<128x2048xf32>
    %max3A_896 = arith.maximumf %max3A_894, %max3A_895 : vector<128x2048xf32>
    %min3A_897 = vector.broadcast %slice3A_888 : vector<128x1xf32> to vector<128x2048xf32>
    %min3A_898 = vector.broadcast %min3A_97 : vector<1x2048xf32> to vector<128x2048xf32>
    %min3A_899 = arith.minimumf %min3A_897, %min3A_898 : vector<128x2048xf32>
    %min3A_900 = vector.broadcast %slice3A_889 : vector<128x1xf32> to vector<128x2048xf32>
    %min3A_901 = vector.broadcast %min3A_104 : vector<1x2048xf32> to vector<128x2048xf32>
    %min3A_902 = arith.minimumf %min3A_900, %min3A_901 : vector<128x2048xf32>
    %sub3A_903 = arith.subf %min3A_899, %max3A_893 : vector<128x2048xf32>
    %add3A_904 = arith.constant 1.000000e+00 : f32
    %add3A_905 = vector.broadcast %add3A_904 : f32 to vector<128x2048xf32>
    %add3A_906 = arith.addf %sub3A_903, %add3A_905 : vector<128x2048xf32>
    %max3A_907 = arith.constant 0.000000e+00 : f32
    %max3A_908 = vector.broadcast %max3A_907 : f32 to vector<128x2048xf32>
    %max3A_909 = arith.maximumf %add3A_906, %max3A_908 : vector<128x2048xf32>
    %sub3A_910 = arith.subf %min3A_902, %max3A_896 : vector<128x2048xf32>
    %add3A_911 = arith.constant 1.000000e+00 : f32
    %add3A_912 = vector.broadcast %add3A_911 : f32 to vector<128x2048xf32>
    %add3A_913 = arith.addf %sub3A_910, %add3A_912 : vector<128x2048xf32>
    %max3A_914 = arith.constant 0.000000e+00 : f32
    %max3A_915 = vector.broadcast %max3A_914 : f32 to vector<128x2048xf32>
    %max3A_916 = arith.maximumf %add3A_913, %max3A_915 : vector<128x2048xf32>
    %mul3A_917 = arith.mulf %max3A_909, %max3A_916 : vector<128x2048xf32>
    %add3A_918 = vector.broadcast %slice3A_890 : vector<128x1xf32> to vector<128x2048xf32>
    %add3A_919 = vector.broadcast %mul3A_113 : vector<1x2048xf32> to vector<128x2048xf32>
    %add3A_920 = arith.addf %add3A_918, %add3A_919 : vector<128x2048xf32>
    %sub3A_921 = arith.subf %add3A_920, %mul3A_917 : vector<128x2048xf32>
    %div3A_922 = arith.divf %mul3A_917, %sub3A_921 : vector<128x2048xf32>
    %iota3A_923 = tpu.iota {dimensions = array<i32: 0>} : vector<128x1xi32>
    %add3A_924 = arith.constant 1536 : i32
    %add3A_925 = vector.broadcast %add3A_924 : i32 to vector<128x1xi32>
    %add3A_926 = arith.addi %add3A_925, %iota3A_923 : vector<128x1xi32>
    %gt3A_927 = arith.constant 0.699999988 : f32
    %gt3A_928 = vector.broadcast %gt3A_927 : f32 to vector<128x2048xf32>
    %gt3A_929 = arith.cmpf ogt, %div3A_922, %gt3A_928 : vector<128x2048xf32>
    %gt3A_930 = vector.broadcast %iota3A : vector<1x2048xi32> to vector<128x2048xi32>
    %gt3A_931 = vector.broadcast %add3A_926 : vector<128x1xi32> to vector<128x2048xi32>
    %gt3A_932 = arith.cmpi sgt, %gt3A_930, %gt3A_931 : vector<128x2048xi32>
    %and3A_933 = arith.andi %gt3A_929, %gt3A_932 : vector<128x2048xi1>
    %and3A_934 = vector.broadcast %lt3A_115 : vector<1x2048xi1> to vector<128x2048xi1>
    %and3A_935 = arith.andi %and3A_933, %and3A_934 : vector<128x2048xi1>
    %lt3A_936 = arith.constant 2000 : i32
    %lt3A_937 = vector.broadcast %lt3A_936 : i32 to vector<128x1xi32>
    %lt3A_938 = arith.cmpi slt, %add3A_926, %lt3A_937 : vector<128x1xi32>
    %and3A_939 = vector.broadcast %lt3A_938 : vector<128x1xi1> to vector<128x2048xi1>
    %and3A_940 = arith.andi %and3A_935, %and3A_939 : vector<128x2048xi1>
    %convert_element_type3A_941 = arith.extui %and3A_940 : vector<128x2048xi1> to vector<128x2048xi32>
    %convert_element_type3A_942 = arith.sitofp %convert_element_type3A_941 : vector<128x2048xi32> to vector<128x2048xf32>
    %convert_element_type3A_943 = arith.truncf %convert_element_type3A_942 : vector<128x2048xf32> to vector<128x2048xbf16>
    %swap3A_944 = arith.constant 1536 : index
    %swap3A_945 = arith.constant 0 : index
    %swap3A_946 = vector.load %arg6[%swap3A_944, %swap3A_945] : memref<2048x2048xbf16, #tpu.memory_space<vmem>>, vector<128x2048xbf16>
    tpu.vector_store %arg6[%swap3A_944, %swap3A_945], %convert_element_type3A_943 {strides = array<i32>} : memref<2048x2048xbf16, #tpu.memory_space<vmem>>, vector<128x2048xbf16>,
    %get3A_947 = arith.constant 1664 : index
    %get3A_948 = arith.constant 0 : index
    %get3A_949 = vector.load %arg7[%get3A_947, %get3A_948] : memref<2048x8xf32, #tpu.memory_space<vmem>>, vector<128x8xf32>
    %slice3A_950 = vector.extract_strided_slice %get3A_949 {offsets = [0, 0], sizes = [128, 1], strides = [1, 1]} : vector<128x8xf32> to vector<128x1xf32>
    %slice3A_951 = vector.extract_strided_slice %get3A_949 {offsets = [0, 1], sizes = [128, 1], strides = [1, 1]} : vector<128x8xf32> to vector<128x1xf32>
    %slice3A_952 = vector.extract_strided_slice %get3A_949 {offsets = [0, 2], sizes = [128, 1], strides = [1, 1]} : vector<128x8xf32> to vector<128x1xf32>
    %slice3A_953 = vector.extract_strided_slice %get3A_949 {offsets = [0, 3], sizes = [128, 1], strides = [1, 1]} : vector<128x8xf32> to vector<128x1xf32>
    %slice3A_954 = vector.extract_strided_slice %get3A_949 {offsets = [0, 5], sizes = [128, 1], strides = [1, 1]} : vector<128x8xf32> to vector<128x1xf32>
    %max3A_955 = vector.broadcast %slice3A_950 : vector<128x1xf32> to vector<128x2048xf32>
    %max3A_956 = vector.broadcast %min3A_83 : vector<1x2048xf32> to vector<128x2048xf32>
    %max3A_957 = arith.maximumf %max3A_955, %max3A_956 : vector<128x2048xf32>
    %max3A_958 = vector.broadcast %slice3A_951 : vector<128x1xf32> to vector<128x2048xf32>
    %max3A_959 = vector.broadcast %min3A_90 : vector<1x2048xf32> to vector<128x2048xf32>
    %max3A_960 = arith.maximumf %max3A_958, %max3A_959 : vector<128x2048xf32>
    %min3A_961 = vector.broadcast %slice3A_952 : vector<128x1xf32> to vector<128x2048xf32>
    %min3A_962 = vector.broadcast %min3A_97 : vector<1x2048xf32> to vector<128x2048xf32>
    %min3A_963 = arith.minimumf %min3A_961, %min3A_962 : vector<128x2048xf32>
    %min3A_964 = vector.broadcast %slice3A_953 : vector<128x1xf32> to vector<128x2048xf32>
    %min3A_965 = vector.broadcast %min3A_104 : vector<1x2048xf32> to vector<128x2048xf32>
    %min3A_966 = arith.minimumf %min3A_964, %min3A_965 : vector<128x2048xf32>
    %sub3A_967 = arith.subf %min3A_963, %max3A_957 : vector<128x2048xf32>
    %add3A_968 = arith.constant 1.000000e+00 : f32
    %add3A_969 = vector.broadcast %add3A_968 : f32 to vector<128x2048xf32>
    %add3A_970 = arith.addf %sub3A_967, %add3A_969 : vector<128x2048xf32>
    %max3A_971 = arith.constant 0.000000e+00 : f32
    %max3A_972 = vector.broadcast %max3A_971 : f32 to vector<128x2048xf32>
    %max3A_973 = arith.maximumf %add3A_970, %max3A_972 : vector<128x2048xf32>
    %sub3A_974 = arith.subf %min3A_966, %max3A_960 : vector<128x2048xf32>
    %add3A_975 = arith.constant 1.000000e+00 : f32
    %add3A_976 = vector.broadcast %add3A_975 : f32 to vector<128x2048xf32>
    %add3A_977 = arith.addf %sub3A_974, %add3A_976 : vector<128x2048xf32>
    %max3A_978 = arith.constant 0.000000e+00 : f32
    %max3A_979 = vector.broadcast %max3A_978 : f32 to vector<128x2048xf32>
    %max3A_980 = arith.maximumf %add3A_977, %max3A_979 : vector<128x2048xf32>
    %mul3A_981 = arith.mulf %max3A_973, %max3A_980 : vector<128x2048xf32>
    %add3A_982 = vector.broadcast %slice3A_954 : vector<128x1xf32> to vector<128x2048xf32>
    %add3A_983 = vector.broadcast %mul3A_113 : vector<1x2048xf32> to vector<128x2048xf32>
    %add3A_984 = arith.addf %add3A_982, %add3A_983 : vector<128x2048xf32>
    %sub3A_985 = arith.subf %add3A_984, %mul3A_981 : vector<128x2048xf32>
    %div3A_986 = arith.divf %mul3A_981, %sub3A_985 : vector<128x2048xf32>
    %iota3A_987 = tpu.iota {dimensions = array<i32: 0>} : vector<128x1xi32>
    %add3A_988 = arith.constant 1664 : i32
    %add3A_989 = vector.broadcast %add3A_988 : i32 to vector<128x1xi32>
    %add3A_990 = arith.addi %add3A_989, %iota3A_987 : vector<128x1xi32>
    %gt3A_991 = arith.constant 0.699999988 : f32
    %gt3A_992 = vector.broadcast %gt3A_991 : f32 to vector<128x2048xf32>
    %gt3A_993 = arith.cmpf ogt, %div3A_986, %gt3A_992 : vector<128x2048xf32>
    %gt3A_994 = vector.broadcast %iota3A : vector<1x2048xi32> to vector<128x2048xi32>
    %gt3A_995 = vector.broadcast %add3A_990 : vector<128x1xi32> to vector<128x2048xi32>
    %gt3A_996 = arith.cmpi sgt, %gt3A_994, %gt3A_995 : vector<128x2048xi32>
    %and3A_997 = arith.andi %gt3A_993, %gt3A_996 : vector<128x2048xi1>
    %and3A_998 = vector.broadcast %lt3A_115 : vector<1x2048xi1> to vector<128x2048xi1>
    %and3A_999 = arith.andi %and3A_997, %and3A_998 : vector<128x2048xi1>
    %lt3A_1000 = arith.constant 2000 : i32
    %lt3A_1001 = vector.broadcast %lt3A_1000 : i32 to vector<128x1xi32>
    %lt3A_1002 = arith.cmpi slt, %add3A_990, %lt3A_1001 : vector<128x1xi32>
    %and3A_1003 = vector.broadcast %lt3A_1002 : vector<128x1xi1> to vector<128x2048xi1>
    %and3A_1004 = arith.andi %and3A_999, %and3A_1003 : vector<128x2048xi1>
    %convert_element_type3A_1005 = arith.extui %and3A_1004 : vector<128x2048xi1> to vector<128x2048xi32>
    %convert_element_type3A_1006 = arith.sitofp %convert_element_type3A_1005 : vector<128x2048xi32> to vector<128x2048xf32>
    %convert_element_type3A_1007 = arith.truncf %convert_element_type3A_1006 : vector<128x2048xf32> to vector<128x2048xbf16>
    %swap3A_1008 = arith.constant 1664 : index
    %swap3A_1009 = arith.constant 0 : index
    %swap3A_1010 = vector.load %arg6[%swap3A_1008, %swap3A_1009] : memref<2048x2048xbf16, #tpu.memory_space<vmem>>, vector<128x2048xbf16>
    tpu.vector_store %arg6[%swap3A_1008, %swap3A_1009], %convert_element_type3A_1007 {strides = array<i32>} : memref<2048x2048xbf16, #tpu.memory_space<vmem>>, vector<128x2048xbf16>,
    %get3A_1011 = arith.constant 1792 : index
    %get3A_1012 = arith.constant 0 : index
    %get3A_1013 = vector.load %arg7[%get3A_1011, %get3A_1012] : memref<2048x8xf32, #tpu.memory_space<vmem>>, vector<128x8xf32>
    %slice3A_1014 = vector.extract_strided_slice %get3A_1013 {offsets = [0, 0], sizes = [128, 1], strides = [1, 1]} : vector<128x8xf32> to vector<128x1xf32>
    %slice3A_1015 = vector.extract_strided_slice %get3A_1013 {offsets = [0, 1], sizes = [128, 1], strides = [1, 1]} : vector<128x8xf32> to vector<128x1xf32>
    %slice3A_1016 = vector.extract_strided_slice %get3A_1013 {offsets = [0, 2], sizes = [128, 1], strides = [1, 1]} : vector<128x8xf32> to vector<128x1xf32>
    %slice3A_1017 = vector.extract_strided_slice %get3A_1013 {offsets = [0, 3], sizes = [128, 1], strides = [1, 1]} : vector<128x8xf32> to vector<128x1xf32>
    %slice3A_1018 = vector.extract_strided_slice %get3A_1013 {offsets = [0, 5], sizes = [128, 1], strides = [1, 1]} : vector<128x8xf32> to vector<128x1xf32>
    %max3A_1019 = vector.broadcast %slice3A_1014 : vector<128x1xf32> to vector<128x2048xf32>
    %max3A_1020 = vector.broadcast %min3A_83 : vector<1x2048xf32> to vector<128x2048xf32>
    %max3A_1021 = arith.maximumf %max3A_1019, %max3A_1020 : vector<128x2048xf32>
    %max3A_1022 = vector.broadcast %slice3A_1015 : vector<128x1xf32> to vector<128x2048xf32>
    %max3A_1023 = vector.broadcast %min3A_90 : vector<1x2048xf32> to vector<128x2048xf32>
    %max3A_1024 = arith.maximumf %max3A_1022, %max3A_1023 : vector<128x2048xf32>
    %min3A_1025 = vector.broadcast %slice3A_1016 : vector<128x1xf32> to vector<128x2048xf32>
    %min3A_1026 = vector.broadcast %min3A_97 : vector<1x2048xf32> to vector<128x2048xf32>
    %min3A_1027 = arith.minimumf %min3A_1025, %min3A_1026 : vector<128x2048xf32>
    %min3A_1028 = vector.broadcast %slice3A_1017 : vector<128x1xf32> to vector<128x2048xf32>
    %min3A_1029 = vector.broadcast %min3A_104 : vector<1x2048xf32> to vector<128x2048xf32>
    %min3A_1030 = arith.minimumf %min3A_1028, %min3A_1029 : vector<128x2048xf32>
    %sub3A_1031 = arith.subf %min3A_1027, %max3A_1021 : vector<128x2048xf32>
    %add3A_1032 = arith.constant 1.000000e+00 : f32
    %add3A_1033 = vector.broadcast %add3A_1032 : f32 to vector<128x2048xf32>
    %add3A_1034 = arith.addf %sub3A_1031, %add3A_1033 : vector<128x2048xf32>
    %max3A_1035 = arith.constant 0.000000e+00 : f32
    %max3A_1036 = vector.broadcast %max3A_1035 : f32 to vector<128x2048xf32>
    %max3A_1037 = arith.maximumf %add3A_1034, %max3A_1036 : vector<128x2048xf32>
    %sub3A_1038 = arith.subf %min3A_1030, %max3A_1024 : vector<128x2048xf32>
    %add3A_1039 = arith.constant 1.000000e+00 : f32
    %add3A_1040 = vector.broadcast %add3A_1039 : f32 to vector<128x2048xf32>
    %add3A_1041 = arith.addf %sub3A_1038, %add3A_1040 : vector<128x2048xf32>
    %max3A_1042 = arith.constant 0.000000e+00 : f32
    %max3A_1043 = vector.broadcast %max3A_1042 : f32 to vector<128x2048xf32>
    %max3A_1044 = arith.maximumf %add3A_1041, %max3A_1043 : vector<128x2048xf32>
    %mul3A_1045 = arith.mulf %max3A_1037, %max3A_1044 : vector<128x2048xf32>
    %add3A_1046 = vector.broadcast %slice3A_1018 : vector<128x1xf32> to vector<128x2048xf32>
    %add3A_1047 = vector.broadcast %mul3A_113 : vector<1x2048xf32> to vector<128x2048xf32>
    %add3A_1048 = arith.addf %add3A_1046, %add3A_1047 : vector<128x2048xf32>
    %sub3A_1049 = arith.subf %add3A_1048, %mul3A_1045 : vector<128x2048xf32>
    %div3A_1050 = arith.divf %mul3A_1045, %sub3A_1049 : vector<128x2048xf32>
    %iota3A_1051 = tpu.iota {dimensions = array<i32: 0>} : vector<128x1xi32>
    %add3A_1052 = arith.constant 1792 : i32
    %add3A_1053 = vector.broadcast %add3A_1052 : i32 to vector<128x1xi32>
    %add3A_1054 = arith.addi %add3A_1053, %iota3A_1051 : vector<128x1xi32>
    %gt3A_1055 = arith.constant 0.699999988 : f32
    %gt3A_1056 = vector.broadcast %gt3A_1055 : f32 to vector<128x2048xf32>
    %gt3A_1057 = arith.cmpf ogt, %div3A_1050, %gt3A_1056 : vector<128x2048xf32>
    %gt3A_1058 = vector.broadcast %iota3A : vector<1x2048xi32> to vector<128x2048xi32>
    %gt3A_1059 = vector.broadcast %add3A_1054 : vector<128x1xi32> to vector<128x2048xi32>
    %gt3A_1060 = arith.cmpi sgt, %gt3A_1058, %gt3A_1059 : vector<128x2048xi32>
    %and3A_1061 = arith.andi %gt3A_1057, %gt3A_1060 : vector<128x2048xi1>
    %and3A_1062 = vector.broadcast %lt3A_115 : vector<1x2048xi1> to vector<128x2048xi1>
    %and3A_1063 = arith.andi %and3A_1061, %and3A_1062 : vector<128x2048xi1>
    %lt3A_1064 = arith.constant 2000 : i32
    %lt3A_1065 = vector.broadcast %lt3A_1064 : i32 to vector<128x1xi32>
    %lt3A_1066 = arith.cmpi slt, %add3A_1054, %lt3A_1065 : vector<128x1xi32>
    %and3A_1067 = vector.broadcast %lt3A_1066 : vector<128x1xi1> to vector<128x2048xi1>
    %and3A_1068 = arith.andi %and3A_1063, %and3A_1067 : vector<128x2048xi1>
    %convert_element_type3A_1069 = arith.extui %and3A_1068 : vector<128x2048xi1> to vector<128x2048xi32>
    %convert_element_type3A_1070 = arith.sitofp %convert_element_type3A_1069 : vector<128x2048xi32> to vector<128x2048xf32>
    %convert_element_type3A_1071 = arith.truncf %convert_element_type3A_1070 : vector<128x2048xf32> to vector<128x2048xbf16>
    %swap3A_1072 = arith.constant 1792 : index
    %swap3A_1073 = arith.constant 0 : index
    %swap3A_1074 = vector.load %arg6[%swap3A_1072, %swap3A_1073] : memref<2048x2048xbf16, #tpu.memory_space<vmem>>, vector<128x2048xbf16>
    tpu.vector_store %arg6[%swap3A_1072, %swap3A_1073], %convert_element_type3A_1071 {strides = array<i32>} : memref<2048x2048xbf16, #tpu.memory_space<vmem>>, vector<128x2048xbf16>,
    %get3A_1075 = arith.constant 1920 : index
    %get3A_1076 = arith.constant 0 : index
    %get3A_1077 = vector.load %arg7[%get3A_1075, %get3A_1076] : memref<2048x8xf32, #tpu.memory_space<vmem>>, vector<128x8xf32>
    %slice3A_1078 = vector.extract_strided_slice %get3A_1077 {offsets = [0, 0], sizes = [128, 1], strides = [1, 1]} : vector<128x8xf32> to vector<128x1xf32>
    %slice3A_1079 = vector.extract_strided_slice %get3A_1077 {offsets = [0, 1], sizes = [128, 1], strides = [1, 1]} : vector<128x8xf32> to vector<128x1xf32>
    %slice3A_1080 = vector.extract_strided_slice %get3A_1077 {offsets = [0, 2], sizes = [128, 1], strides = [1, 1]} : vector<128x8xf32> to vector<128x1xf32>
    %slice3A_1081 = vector.extract_strided_slice %get3A_1077 {offsets = [0, 3], sizes = [128, 1], strides = [1, 1]} : vector<128x8xf32> to vector<128x1xf32>
    %slice3A_1082 = vector.extract_strided_slice %get3A_1077 {offsets = [0, 5], sizes = [128, 1], strides = [1, 1]} : vector<128x8xf32> to vector<128x1xf32>
    %max3A_1083 = vector.broadcast %slice3A_1078 : vector<128x1xf32> to vector<128x2048xf32>
    %max3A_1084 = vector.broadcast %min3A_83 : vector<1x2048xf32> to vector<128x2048xf32>
    %max3A_1085 = arith.maximumf %max3A_1083, %max3A_1084 : vector<128x2048xf32>
    %max3A_1086 = vector.broadcast %slice3A_1079 : vector<128x1xf32> to vector<128x2048xf32>
    %max3A_1087 = vector.broadcast %min3A_90 : vector<1x2048xf32> to vector<128x2048xf32>
    %max3A_1088 = arith.maximumf %max3A_1086, %max3A_1087 : vector<128x2048xf32>
    %min3A_1089 = vector.broadcast %slice3A_1080 : vector<128x1xf32> to vector<128x2048xf32>
    %min3A_1090 = vector.broadcast %min3A_97 : vector<1x2048xf32> to vector<128x2048xf32>
    %min3A_1091 = arith.minimumf %min3A_1089, %min3A_1090 : vector<128x2048xf32>
    %min3A_1092 = vector.broadcast %slice3A_1081 : vector<128x1xf32> to vector<128x2048xf32>
    %min3A_1093 = vector.broadcast %min3A_104 : vector<1x2048xf32> to vector<128x2048xf32>
    %min3A_1094 = arith.minimumf %min3A_1092, %min3A_1093 : vector<128x2048xf32>
    %sub3A_1095 = arith.subf %min3A_1091, %max3A_1085 : vector<128x2048xf32>
    %add3A_1096 = arith.constant 1.000000e+00 : f32
    %add3A_1097 = vector.broadcast %add3A_1096 : f32 to vector<128x2048xf32>
    %add3A_1098 = arith.addf %sub3A_1095, %add3A_1097 : vector<128x2048xf32>
    %max3A_1099 = arith.constant 0.000000e+00 : f32
    %max3A_1100 = vector.broadcast %max3A_1099 : f32 to vector<128x2048xf32>
    %max3A_1101 = arith.maximumf %add3A_1098, %max3A_1100 : vector<128x2048xf32>
    %sub3A_1102 = arith.subf %min3A_1094, %max3A_1088 : vector<128x2048xf32>
    %add3A_1103 = arith.constant 1.000000e+00 : f32
    %add3A_1104 = vector.broadcast %add3A_1103 : f32 to vector<128x2048xf32>
    %add3A_1105 = arith.addf %sub3A_1102, %add3A_1104 : vector<128x2048xf32>
    %max3A_1106 = arith.constant 0.000000e+00 : f32
    %max3A_1107 = vector.broadcast %max3A_1106 : f32 to vector<128x2048xf32>
    %max3A_1108 = arith.maximumf %add3A_1105, %max3A_1107 : vector<128x2048xf32>
    %mul3A_1109 = arith.mulf %max3A_1101, %max3A_1108 : vector<128x2048xf32>
    %add3A_1110 = vector.broadcast %slice3A_1082 : vector<128x1xf32> to vector<128x2048xf32>
    %add3A_1111 = vector.broadcast %mul3A_113 : vector<1x2048xf32> to vector<128x2048xf32>
    %add3A_1112 = arith.addf %add3A_1110, %add3A_1111 : vector<128x2048xf32>
    %sub3A_1113 = arith.subf %add3A_1112, %mul3A_1109 : vector<128x2048xf32>
    %div3A_1114 = arith.divf %mul3A_1109, %sub3A_1113 : vector<128x2048xf32>
    %iota3A_1115 = tpu.iota {dimensions = array<i32: 0>} : vector<128x1xi32>
    %add3A_1116 = arith.constant 1920 : i32
    %add3A_1117 = vector.broadcast %add3A_1116 : i32 to vector<128x1xi32>
    %add3A_1118 = arith.addi %add3A_1117, %iota3A_1115 : vector<128x1xi32>
    %gt3A_1119 = arith.constant 0.699999988 : f32
    %gt3A_1120 = vector.broadcast %gt3A_1119 : f32 to vector<128x2048xf32>
    %gt3A_1121 = arith.cmpf ogt, %div3A_1114, %gt3A_1120 : vector<128x2048xf32>
    %gt3A_1122 = vector.broadcast %iota3A : vector<1x2048xi32> to vector<128x2048xi32>
    %gt3A_1123 = vector.broadcast %add3A_1118 : vector<128x1xi32> to vector<128x2048xi32>
    %gt3A_1124 = arith.cmpi sgt, %gt3A_1122, %gt3A_1123 : vector<128x2048xi32>
    %and3A_1125 = arith.andi %gt3A_1121, %gt3A_1124 : vector<128x2048xi1>
    %and3A_1126 = vector.broadcast %lt3A_115 : vector<1x2048xi1> to vector<128x2048xi1>
    %and3A_1127 = arith.andi %and3A_1125, %and3A_1126 : vector<128x2048xi1>
    %lt3A_1128 = arith.constant 2000 : i32
    %lt3A_1129 = vector.broadcast %lt3A_1128 : i32 to vector<128x1xi32>
    %lt3A_1130 = arith.cmpi slt, %add3A_1118, %lt3A_1129 : vector<128x1xi32>
    %and3A_1131 = vector.broadcast %lt3A_1130 : vector<128x1xi1> to vector<128x2048xi1>
    %and3A_1132 = arith.andi %and3A_1127, %and3A_1131 : vector<128x2048xi1>
    %convert_element_type3A_1133 = arith.extui %and3A_1132 : vector<128x2048xi1> to vector<128x2048xi32>
    %convert_element_type3A_1134 = arith.sitofp %convert_element_type3A_1133 : vector<128x2048xi32> to vector<128x2048xf32>
    %convert_element_type3A_1135 = arith.truncf %convert_element_type3A_1134 : vector<128x2048xf32> to vector<128x2048xbf16>
    %swap3A_1136 = arith.constant 1920 : index
    %swap3A_1137 = arith.constant 0 : index
    %swap3A_1138 = vector.load %arg6[%swap3A_1136, %swap3A_1137] : memref<2048x2048xbf16, #tpu.memory_space<vmem>>, vector<128x2048xbf16>
    tpu.vector_store %arg6[%swap3A_1136, %swap3A_1137], %convert_element_type3A_1135 {strides = array<i32>} : memref<2048x2048xbf16, #tpu.memory_space<vmem>>, vector<128x2048xbf16>,
    %jit3A = arith.constant 1.000000e+00 : f32
    %jit3A_1139 = arith.constant 0.000000e+00 : f32
    %broadcast_in_dim3A_1140 = vector.broadcast %jit3A : f32 to vector<1x2048xf32>
    %broadcast_in_dim3A_1141 = vector.broadcast %jit3A_1139 : f32 to vector<1x2048xf32>
    %select_n3A = arith.select %lt3A_115, %broadcast_in_dim3A_1140, %broadcast_in_dim3A_1141 : vector<1x2048xi1>, vector<1x2048xf32>
    %while3A = arith.constant true
    %while3A_1142:2 = scf.while (%while3A_1307 = %select_n3A, %while3A_1308 = %while3A) : (vector<1x2048xf32>, i1) -> (vector<1x2048xf32>, i1) {
      scf.condition(%while3A_1308) %while3A_1307, %while3A_1308 : vector<1x2048xf32>, i1
    } do {
    ^bb0(%while3A_1307: vector<1x2048xf32>, %while3A_1308: i1):
      %convert_element_type3A_1309 = arith.truncf %while3A_1307 : vector<1x2048xf32> to vector<1x2048xbf16>
      %get3A_1310 = arith.constant 0 : index
      %get3A_1311 = arith.constant 0 : index
      %get3A_1312 = vector.load %arg6[%get3A_1310, %get3A_1311] : memref<2048x2048xbf16, #tpu.memory_space<vmem>>, vector<2048x2048xbf16>
      %dot_general3A_1313 = arith.constant dense<0.000000e+00> : vector<1x2048xf32>
      %dot_general3A_1314 = tpu.matmul %convert_element_type3A_1309, %get3A_1312, %dot_general3A_1313 {dimension_numbers = #tpu.dot_dimension_numbers<[1], [0], [0], [1], [0, 0, 1, 1], [], []>, transpose_lhs_hint = false} : vector<1x2048xbf16>, vector<2048x2048xbf16>, vector<1x2048xf32> -> vector<1x2048xf32>
      %gt3A_1315 = arith.constant 0.000000e+00 : f32
      %gt3A_1316 = vector.broadcast %gt3A_1315 : f32 to vector<1x2048xf32>
      %gt3A_1317 = arith.cmpf ogt, %dot_general3A_1314, %gt3A_1316 : vector<1x2048xf32>
      %not3A = arith.constant dense<true> : vector<1x2048xi1>
      %not3A_1318 = arith.xori %lt3A_115, %not3A : vector<1x2048xi1>
      %or3A = arith.ori %gt3A_1317, %not3A_1318 : vector<1x2048xi1>
      %jit3A_1319 = arith.constant 0.000000e+00 : f32
      %jit3A_1320 = arith.constant 1.000000e+00 : f32
      %broadcast_in_dim3A_1321 = vector.broadcast %jit3A_1319 : f32 to vector<1x2048xf32>
      %broadcast_in_dim3A_1322 = vector.broadcast %jit3A_1320 : f32 to vector<1x2048xf32>
      %select_n3A_1323 = arith.select %or3A, %broadcast_in_dim3A_1321, %broadcast_in_dim3A_1322 : vector<1x2048xi1>, vector<1x2048xf32>
      %ne3A = arith.cmpf one, %select_n3A_1323, %while3A_1307 : vector<1x2048xf32>
      %reduce_or3A = arith.constant 1.000000e+00 : f32
      %reduce_or3A_1324 = arith.constant 0.000000e+00 : f32
      %reduce_or3A_1325 = vector.broadcast %reduce_or3A : f32 to vector<1x2048xf32>
      %reduce_or3A_1326 = vector.broadcast %reduce_or3A_1324 : f32 to vector<1x2048xf32>
      %reduce_or3A_1327 = arith.select %ne3A, %reduce_or3A_1325, %reduce_or3A_1326 : vector<1x2048xi1>, vector<1x2048xf32>
      %reduce_or3A_1328 = vector.shape_cast %reduce_or3A_1327 : vector<1x2048xf32> to vector<1x1x2048xf32>
      %reduce_or3A_1329 = arith.constant dense<0xFF800000> : vector<1xf32>
      %reduce_or3A_1330 = vector.multi_reduction <maximumf>, %reduce_or3A_1328, %reduce_or3A_1329 [1, 2] : vector<1x1x2048xf32> to vector<1xf32>
      %reduce_or3A_1331 = vector.shape_cast %reduce_or3A_1330 : vector<1xf32> to vector<1x1x1xf32>
      %reduce_or3A_1332 = vector.extract %reduce_or3A_1331[0, 0, 0] : f32 from vector<1x1x1xf32>
      %reduce_or3A_1333 = arith.constant 0.000000e+00 : f32
      %reduce_or3A_1334 = arith.cmpf ogt, %reduce_or3A_1332, %reduce_or3A_1333 : f32
      scf.yield %select_n3A_1323, %reduce_or3A_1334 : vector<1x2048xf32>, i1
    }
    %sub3A_1143 = arith.constant 1.000000e+00 : f32
    %sub3A_1144 = vector.broadcast %sub3A_1143 : f32 to vector<1x2048xf32>
    %sub3A_1145 = arith.subf %sub3A_1144, %while3A_1142#0 : vector<1x2048xf32>
    %jit3A_1146 = arith.constant 0.000000e+00 : f32
    %broadcast_in_dim3A_1147 = vector.broadcast %jit3A_1146 : f32 to vector<1x2048xf32>
    %select_n3A_1148 = arith.select %lt3A_115, %sub3A_1145, %broadcast_in_dim3A_1147 : vector<1x2048xi1>, vector<1x2048xf32>
    %broadcast_in_dim3A_1149 = arith.constant 0.000000e+00 : f32
    %broadcast_in_dim3A_1150 = vector.broadcast %broadcast_in_dim3A_1149 : f32 to vector<1x1xf32>
    %slice3A_1151 = vector.extract_strided_slice %while3A_1142#0 {offsets = [0, 0], sizes = [1, 2047], strides = [1, 1]} : vector<1x2048xf32> to vector<1x2047xf32>
    %concatenate3A_1152 = tpu.concatenate %broadcast_in_dim3A_1150, %slice3A_1151 in 1 : vector<1x1xf32>, vector<1x2047xf32> -> vector<1x2048xf32>
    %add3A_1153 = arith.addf %while3A_1142#0, %concatenate3A_1152 : vector<1x2048xf32>
    %broadcast_in_dim3A_1154 = arith.constant 0.000000e+00 : f32
    %broadcast_in_dim3A_1155 = vector.broadcast %broadcast_in_dim3A_1154 : f32 to vector<1x2xf32>
    %slice3A_1156 = vector.extract_strided_slice %add3A_1153 {offsets = [0, 0], sizes = [1, 2046], strides = [1, 1]} : vector<1x2048xf32> to vector<1x2046xf32>
    %concatenate3A_1157 = tpu.concatenate %broadcast_in_dim3A_1155, %slice3A_1156 in 1 : vector<1x2xf32>, vector<1x2046xf32> -> vector<1x2048xf32>
    %add3A_1158 = arith.addf %add3A_1153, %concatenate3A_1157 : vector<1x2048xf32>
    %broadcast_in_dim3A_1159 = arith.constant 0.000000e+00 : f32
    %broadcast_in_dim3A_1160 = vector.broadcast %broadcast_in_dim3A_1159 : f32 to vector<1x4xf32>
    %slice3A_1161 = vector.extract_strided_slice %add3A_1158 {offsets = [0, 0], sizes = [1, 2044], strides = [1, 1]} : vector<1x2048xf32> to vector<1x2044xf32>
    %concatenate3A_1162 = tpu.concatenate %broadcast_in_dim3A_1160, %slice3A_1161 in 1 : vector<1x4xf32>, vector<1x2044xf32> -> vector<1x2048xf32>
    %add3A_1163 = arith.addf %add3A_1158, %concatenate3A_1162 : vector<1x2048xf32>
    %broadcast_in_dim3A_1164 = arith.constant 0.000000e+00 : f32
    %broadcast_in_dim3A_1165 = vector.broadcast %broadcast_in_dim3A_1164 : f32 to vector<1x8xf32>
    %slice3A_1166 = vector.extract_strided_slice %add3A_1163 {offsets = [0, 0], sizes = [1, 2040], strides = [1, 1]} : vector<1x2048xf32> to vector<1x2040xf32>
    %concatenate3A_1167 = tpu.concatenate %broadcast_in_dim3A_1165, %slice3A_1166 in 1 : vector<1x8xf32>, vector<1x2040xf32> -> vector<1x2048xf32>
    %add3A_1168 = arith.addf %add3A_1163, %concatenate3A_1167 : vector<1x2048xf32>
    %broadcast_in_dim3A_1169 = arith.constant 0.000000e+00 : f32
    %broadcast_in_dim3A_1170 = vector.broadcast %broadcast_in_dim3A_1169 : f32 to vector<1x16xf32>
    %slice3A_1171 = vector.extract_strided_slice %add3A_1168 {offsets = [0, 0], sizes = [1, 2032], strides = [1, 1]} : vector<1x2048xf32> to vector<1x2032xf32>
    %concatenate3A_1172 = tpu.concatenate %broadcast_in_dim3A_1170, %slice3A_1171 in 1 : vector<1x16xf32>, vector<1x2032xf32> -> vector<1x2048xf32>
    %add3A_1173 = arith.addf %add3A_1168, %concatenate3A_1172 : vector<1x2048xf32>
    %broadcast_in_dim3A_1174 = arith.constant 0.000000e+00 : f32
    %broadcast_in_dim3A_1175 = vector.broadcast %broadcast_in_dim3A_1174 : f32 to vector<1x32xf32>
    %slice3A_1176 = vector.extract_strided_slice %add3A_1173 {offsets = [0, 0], sizes = [1, 2016], strides = [1, 1]} : vector<1x2048xf32> to vector<1x2016xf32>
    %concatenate3A_1177 = tpu.concatenate %broadcast_in_dim3A_1175, %slice3A_1176 in 1 : vector<1x32xf32>, vector<1x2016xf32> -> vector<1x2048xf32>
    %add3A_1178 = arith.addf %add3A_1173, %concatenate3A_1177 : vector<1x2048xf32>
    %broadcast_in_dim3A_1179 = arith.constant 0.000000e+00 : f32
    %broadcast_in_dim3A_1180 = vector.broadcast %broadcast_in_dim3A_1179 : f32 to vector<1x64xf32>
    %slice3A_1181 = vector.extract_strided_slice %add3A_1178 {offsets = [0, 0], sizes = [1, 1984], strides = [1, 1]} : vector<1x2048xf32> to vector<1x1984xf32>
    %concatenate3A_1182 = tpu.concatenate %broadcast_in_dim3A_1180, %slice3A_1181 in 1 : vector<1x64xf32>, vector<1x1984xf32> -> vector<1x2048xf32>
    %add3A_1183 = arith.addf %add3A_1178, %concatenate3A_1182 : vector<1x2048xf32>
    %broadcast_in_dim3A_1184 = arith.constant 0.000000e+00 : f32
    %broadcast_in_dim3A_1185 = vector.broadcast %broadcast_in_dim3A_1184 : f32 to vector<1x128xf32>
    %slice3A_1186 = vector.extract_strided_slice %add3A_1183 {offsets = [0, 0], sizes = [1, 1920], strides = [1, 1]} : vector<1x2048xf32> to vector<1x1920xf32>
    %concatenate3A_1187 = tpu.concatenate %broadcast_in_dim3A_1185, %slice3A_1186 in 1 : vector<1x128xf32>, vector<1x1920xf32> -> vector<1x2048xf32>
    %add3A_1188 = arith.addf %add3A_1183, %concatenate3A_1187 : vector<1x2048xf32>
    %broadcast_in_dim3A_1189 = arith.constant 0.000000e+00 : f32
    %broadcast_in_dim3A_1190 = vector.broadcast %broadcast_in_dim3A_1189 : f32 to vector<1x256xf32>
    %slice3A_1191 = vector.extract_strided_slice %add3A_1188 {offsets = [0, 0], sizes = [1, 1792], strides = [1, 1]} : vector<1x2048xf32> to vector<1x1792xf32>
    %concatenate3A_1192 = tpu.concatenate %broadcast_in_dim3A_1190, %slice3A_1191 in 1 : vector<1x256xf32>, vector<1x1792xf32> -> vector<1x2048xf32>
    %add3A_1193 = arith.addf %add3A_1188, %concatenate3A_1192 : vector<1x2048xf32>
    %broadcast_in_dim3A_1194 = arith.constant 0.000000e+00 : f32
    %broadcast_in_dim3A_1195 = vector.broadcast %broadcast_in_dim3A_1194 : f32 to vector<1x512xf32>
    %slice3A_1196 = vector.extract_strided_slice %add3A_1193 {offsets = [0, 0], sizes = [1, 1536], strides = [1, 1]} : vector<1x2048xf32> to vector<1x1536xf32>
    %concatenate3A_1197 = tpu.concatenate %broadcast_in_dim3A_1195, %slice3A_1196 in 1 : vector<1x512xf32>, vector<1x1536xf32> -> vector<1x2048xf32>
    %add3A_1198 = arith.addf %add3A_1193, %concatenate3A_1197 : vector<1x2048xf32>
    %broadcast_in_dim3A_1199 = arith.constant 0.000000e+00 : f32
    %broadcast_in_dim3A_1200 = vector.broadcast %broadcast_in_dim3A_1199 : f32 to vector<1x1024xf32>
    %slice3A_1201 = vector.extract_strided_slice %add3A_1198 {offsets = [0, 0], sizes = [1, 1024], strides = [1, 1]} : vector<1x2048xf32> to vector<1x1024xf32>
    %concatenate3A_1202 = tpu.concatenate %broadcast_in_dim3A_1200, %slice3A_1201 in 1 : vector<1x1024xf32>, vector<1x1024xf32> -> vector<1x2048xf32>
    %add3A_1203 = arith.addf %add3A_1198, %concatenate3A_1202 : vector<1x2048xf32>
    %broadcast_in_dim3A_1204 = arith.constant 0.000000e+00 : f32
    %broadcast_in_dim3A_1205 = vector.broadcast %broadcast_in_dim3A_1204 : f32 to vector<1x1xf32>
    %slice3A_1206 = vector.extract_strided_slice %select_n3A_1148 {offsets = [0, 0], sizes = [1, 2047], strides = [1, 1]} : vector<1x2048xf32> to vector<1x2047xf32>
    %concatenate3A_1207 = tpu.concatenate %broadcast_in_dim3A_1205, %slice3A_1206 in 1 : vector<1x1xf32>, vector<1x2047xf32> -> vector<1x2048xf32>
    %add3A_1208 = arith.addf %select_n3A_1148, %concatenate3A_1207 : vector<1x2048xf32>
    %broadcast_in_dim3A_1209 = arith.constant 0.000000e+00 : f32
    %broadcast_in_dim3A_1210 = vector.broadcast %broadcast_in_dim3A_1209 : f32 to vector<1x2xf32>
    %slice3A_1211 = vector.extract_strided_slice %add3A_1208 {offsets = [0, 0], sizes = [1, 2046], strides = [1, 1]} : vector<1x2048xf32> to vector<1x2046xf32>
    %concatenate3A_1212 = tpu.concatenate %broadcast_in_dim3A_1210, %slice3A_1211 in 1 : vector<1x2xf32>, vector<1x2046xf32> -> vector<1x2048xf32>
    %add3A_1213 = arith.addf %add3A_1208, %concatenate3A_1212 : vector<1x2048xf32>
    %broadcast_in_dim3A_1214 = arith.constant 0.000000e+00 : f32
    %broadcast_in_dim3A_1215 = vector.broadcast %broadcast_in_dim3A_1214 : f32 to vector<1x4xf32>
    %slice3A_1216 = vector.extract_strided_slice %add3A_1213 {offsets = [0, 0], sizes = [1, 2044], strides = [1, 1]} : vector<1x2048xf32> to vector<1x2044xf32>
    %concatenate3A_1217 = tpu.concatenate %broadcast_in_dim3A_1215, %slice3A_1216 in 1 : vector<1x4xf32>, vector<1x2044xf32> -> vector<1x2048xf32>
    %add3A_1218 = arith.addf %add3A_1213, %concatenate3A_1217 : vector<1x2048xf32>
    %broadcast_in_dim3A_1219 = arith.constant 0.000000e+00 : f32
    %broadcast_in_dim3A_1220 = vector.broadcast %broadcast_in_dim3A_1219 : f32 to vector<1x8xf32>
    %slice3A_1221 = vector.extract_strided_slice %add3A_1218 {offsets = [0, 0], sizes = [1, 2040], strides = [1, 1]} : vector<1x2048xf32> to vector<1x2040xf32>
    %concatenate3A_1222 = tpu.concatenate %broadcast_in_dim3A_1220, %slice3A_1221 in 1 : vector<1x8xf32>, vector<1x2040xf32> -> vector<1x2048xf32>
    %add3A_1223 = arith.addf %add3A_1218, %concatenate3A_1222 : vector<1x2048xf32>
    %broadcast_in_dim3A_1224 = arith.constant 0.000000e+00 : f32
    %broadcast_in_dim3A_1225 = vector.broadcast %broadcast_in_dim3A_1224 : f32 to vector<1x16xf32>
    %slice3A_1226 = vector.extract_strided_slice %add3A_1223 {offsets = [0, 0], sizes = [1, 2032], strides = [1, 1]} : vector<1x2048xf32> to vector<1x2032xf32>
    %concatenate3A_1227 = tpu.concatenate %broadcast_in_dim3A_1225, %slice3A_1226 in 1 : vector<1x16xf32>, vector<1x2032xf32> -> vector<1x2048xf32>
    %add3A_1228 = arith.addf %add3A_1223, %concatenate3A_1227 : vector<1x2048xf32>
    %broadcast_in_dim3A_1229 = arith.constant 0.000000e+00 : f32
    %broadcast_in_dim3A_1230 = vector.broadcast %broadcast_in_dim3A_1229 : f32 to vector<1x32xf32>
    %slice3A_1231 = vector.extract_strided_slice %add3A_1228 {offsets = [0, 0], sizes = [1, 2016], strides = [1, 1]} : vector<1x2048xf32> to vector<1x2016xf32>
    %concatenate3A_1232 = tpu.concatenate %broadcast_in_dim3A_1230, %slice3A_1231 in 1 : vector<1x32xf32>, vector<1x2016xf32> -> vector<1x2048xf32>
    %add3A_1233 = arith.addf %add3A_1228, %concatenate3A_1232 : vector<1x2048xf32>
    %broadcast_in_dim3A_1234 = arith.constant 0.000000e+00 : f32
    %broadcast_in_dim3A_1235 = vector.broadcast %broadcast_in_dim3A_1234 : f32 to vector<1x64xf32>
    %slice3A_1236 = vector.extract_strided_slice %add3A_1233 {offsets = [0, 0], sizes = [1, 1984], strides = [1, 1]} : vector<1x2048xf32> to vector<1x1984xf32>
    %concatenate3A_1237 = tpu.concatenate %broadcast_in_dim3A_1235, %slice3A_1236 in 1 : vector<1x64xf32>, vector<1x1984xf32> -> vector<1x2048xf32>
    %add3A_1238 = arith.addf %add3A_1233, %concatenate3A_1237 : vector<1x2048xf32>
    %broadcast_in_dim3A_1239 = arith.constant 0.000000e+00 : f32
    %broadcast_in_dim3A_1240 = vector.broadcast %broadcast_in_dim3A_1239 : f32 to vector<1x128xf32>
    %slice3A_1241 = vector.extract_strided_slice %add3A_1238 {offsets = [0, 0], sizes = [1, 1920], strides = [1, 1]} : vector<1x2048xf32> to vector<1x1920xf32>
    %concatenate3A_1242 = tpu.concatenate %broadcast_in_dim3A_1240, %slice3A_1241 in 1 : vector<1x128xf32>, vector<1x1920xf32> -> vector<1x2048xf32>
    %add3A_1243 = arith.addf %add3A_1238, %concatenate3A_1242 : vector<1x2048xf32>
    %broadcast_in_dim3A_1244 = arith.constant 0.000000e+00 : f32
    %broadcast_in_dim3A_1245 = vector.broadcast %broadcast_in_dim3A_1244 : f32 to vector<1x256xf32>
    %slice3A_1246 = vector.extract_strided_slice %add3A_1243 {offsets = [0, 0], sizes = [1, 1792], strides = [1, 1]} : vector<1x2048xf32> to vector<1x1792xf32>
    %concatenate3A_1247 = tpu.concatenate %broadcast_in_dim3A_1245, %slice3A_1246 in 1 : vector<1x256xf32>, vector<1x1792xf32> -> vector<1x2048xf32>
    %add3A_1248 = arith.addf %add3A_1243, %concatenate3A_1247 : vector<1x2048xf32>
    %broadcast_in_dim3A_1249 = arith.constant 0.000000e+00 : f32
    %broadcast_in_dim3A_1250 = vector.broadcast %broadcast_in_dim3A_1249 : f32 to vector<1x512xf32>
    %slice3A_1251 = vector.extract_strided_slice %add3A_1248 {offsets = [0, 0], sizes = [1, 1536], strides = [1, 1]} : vector<1x2048xf32> to vector<1x1536xf32>
    %concatenate3A_1252 = tpu.concatenate %broadcast_in_dim3A_1250, %slice3A_1251 in 1 : vector<1x512xf32>, vector<1x1536xf32> -> vector<1x2048xf32>
    %add3A_1253 = arith.addf %add3A_1248, %concatenate3A_1252 : vector<1x2048xf32>
    %broadcast_in_dim3A_1254 = arith.constant 0.000000e+00 : f32
    %broadcast_in_dim3A_1255 = vector.broadcast %broadcast_in_dim3A_1254 : f32 to vector<1x1024xf32>
    %slice3A_1256 = vector.extract_strided_slice %add3A_1253 {offsets = [0, 0], sizes = [1, 1024], strides = [1, 1]} : vector<1x2048xf32> to vector<1x1024xf32>
    %concatenate3A_1257 = tpu.concatenate %broadcast_in_dim3A_1255, %slice3A_1256 in 1 : vector<1x1024xf32>, vector<1x1024xf32> -> vector<1x2048xf32>
    %add3A_1258 = arith.addf %add3A_1253, %concatenate3A_1257 : vector<1x2048xf32>
    %slice3A_1259 = vector.extract_strided_slice %add3A_1203 {offsets = [0, 2047], sizes = [1, 1], strides = [1, 1]} : vector<1x2048xf32> to vector<1x1xf32>
    %gt3A_1260 = arith.constant 0.000000e+00 : f32
    %gt3A_1261 = vector.broadcast %gt3A_1260 : f32 to vector<1x2048xf32>
    %gt3A_1262 = arith.cmpf ogt, %while3A_1142#0, %gt3A_1261 : vector<1x2048xf32>
    %sub3A_1263 = arith.constant 1.000000e+00 : f32
    %sub3A_1264 = vector.broadcast %sub3A_1263 : f32 to vector<1x2048xf32>
    %sub3A_1265 = arith.subf %add3A_1203, %sub3A_1264 : vector<1x2048xf32>
    %add3A_1266 = vector.broadcast %slice3A_1259 : vector<1x1xf32> to vector<1x2048xf32>
    %add3A_1267 = arith.addf %add3A_1266, %add3A_1258 : vector<1x2048xf32>
    %sub3A_1268 = arith.constant 1.000000e+00 : f32
    %sub3A_1269 = vector.broadcast %sub3A_1268 : f32 to vector<1x2048xf32>
    %sub3A_1270 = arith.subf %add3A_1267, %sub3A_1269 : vector<1x2048xf32>
    %select_n3A_1271 = arith.select %gt3A_1262, %sub3A_1265, %sub3A_1270 : vector<1x2048xi1>, vector<1x2048xf32>
    %jit3A_1272 = arith.constant 4.096000e+03 : f32
    %broadcast_in_dim3A_1273 = vector.broadcast %jit3A_1272 : f32 to vector<1x2048xf32>
    %select_n3A_1274 = arith.select %lt3A_115, %select_n3A_1271, %broadcast_in_dim3A_1273 : vector<1x2048xi1>, vector<1x2048xf32>
    %iota3A_1275 = tpu.iota {dimensions = array<i32: 0>} : vector<1024x1xi32>
    %convert_element_type3A_1276 = arith.sitofp %iota3A_1275 : vector<1024x1xi32> to vector<1024x1xf32>
    %broadcast_in_dim3A_1277 = arith.constant 0.000000e+00 : f32
    %broadcast_in_dim3A_1278 = vector.broadcast %broadcast_in_dim3A_1277 : f32 to vector<1024x8xf32>
    %slice3A_1279 = vector.extract_strided_slice %select_n3A_1274 {offsets = [0, 0], sizes = [1, 1024], strides = [1, 1]} : vector<1x2048xf32> to vector<1x1024xf32>
    %eq3A = vector.broadcast %convert_element_type3A_1276 : vector<1024x1xf32> to vector<1024x1024xf32>
    %eq3A_1280 = vector.broadcast %slice3A_1279 : vector<1x1024xf32> to vector<1024x1024xf32>
    %eq3A_1281 = arith.cmpf oeq, %eq3A, %eq3A_1280 : vector<1024x1024xf32>
    %convert_element_type3A_1282 = arith.extui %eq3A_1281 : vector<1024x1024xi1> to vector<1024x1024xi32>
    %convert_element_type3A_1283 = arith.sitofp %convert_element_type3A_1282 : vector<1024x1024xi32> to vector<1024x1024xf32>
    %get3A_1284 = arith.constant 0 : index
    %get3A_1285 = arith.constant 0 : index
    %get3A_1286 = vector.load %arg7[%get3A_1284, %get3A_1285] : memref<2048x8xf32, #tpu.memory_space<vmem>>, vector<1024x8xf32>
    %dot_general3A = arith.constant dense<0.000000e+00> : vector<1024x8xf32>
    %dot_general3A_1287 = tpu.matmul %convert_element_type3A_1283, %get3A_1286, %dot_general3A {dimension_numbers = #tpu.dot_dimension_numbers<[1], [0], [0], [1], [0, 0, 1, 1], [], []>, transpose_lhs_hint = false} : vector<1024x1024xf32>, vector<1024x8xf32>, vector<1024x8xf32> -> vector<1024x8xf32>
    %add3A_1288 = arith.addf %broadcast_in_dim3A_1278, %dot_general3A_1287 : vector<1024x8xf32>
    %slice3A_1289 = vector.extract_strided_slice %select_n3A_1274 {offsets = [0, 1024], sizes = [1, 1024], strides = [1, 1]} : vector<1x2048xf32> to vector<1x1024xf32>
    %eq3A_1290 = vector.broadcast %convert_element_type3A_1276 : vector<1024x1xf32> to vector<1024x1024xf32>
    %eq3A_1291 = vector.broadcast %slice3A_1289 : vector<1x1024xf32> to vector<1024x1024xf32>
    %eq3A_1292 = arith.cmpf oeq, %eq3A_1290, %eq3A_1291 : vector<1024x1024xf32>
    %convert_element_type3A_1293 = arith.extui %eq3A_1292 : vector<1024x1024xi1> to vector<1024x1024xi32>
    %convert_element_type3A_1294 = arith.sitofp %convert_element_type3A_1293 : vector<1024x1024xi32> to vector<1024x1024xf32>
    %get3A_1295 = arith.constant 1024 : index
    %get3A_1296 = arith.constant 0 : index
    %get3A_1297 = vector.load %arg7[%get3A_1295, %get3A_1296] : memref<2048x8xf32, #tpu.memory_space<vmem>>, vector<1024x8xf32>
    %dot_general3A_1298 = arith.constant dense<0.000000e+00> : vector<1024x8xf32>
    %dot_general3A_1299 = tpu.matmul %convert_element_type3A_1294, %get3A_1297, %dot_general3A_1298 {dimension_numbers = #tpu.dot_dimension_numbers<[1], [0], [0], [1], [0, 0, 1, 1], [], []>, transpose_lhs_hint = false} : vector<1024x1024xf32>, vector<1024x8xf32>, vector<1024x8xf32> -> vector<1024x8xf32>
    %add3A_1300 = arith.addf %add3A_1288, %dot_general3A_1299 : vector<1024x8xf32>
    %swap3A_1301 = arith.constant 0 : index
    %swap3A_1302 = arith.constant 0 : index
    %swap3A_1303 = arith.constant 0 : index
    %swap3A_1304 = vector.load %arg5[%swap3A_1301, %swap3A_1302, %swap3A_1303] : memref<1x1024x8xf32, #tpu.memory_space<vmem>>, vector<1x1024x8xf32>
    %swap3A_1305 = vector.shape_cast %swap3A_1304 : vector<1x1024x8xf32> to vector<1024x8xf32>
    %swap3A_1306 = vector.shape_cast %add3A_1300 : vector<1024x8xf32> to vector<1x1024x8xf32>
    tpu.vector_store %arg5[%swap3A_1301, %swap3A_1302, %swap3A_1303], %swap3A_1306 {strides = array<i32>} : memref<1x1024x8xf32, #tpu.memory_space<vmem>>, vector<1x1024x8xf32>,
    return
  }
  func.func @transform_0(%arg0: i32) -> (i32, i32, i32) {
    %c0_i32 = arith.constant 0 : i32
    %c0_i32_0 = arith.constant 0 : i32
    %c0_i32_1 = arith.constant 0 : i32
    return %arg0, %c0_i32, %c0_i32_0 : i32, i32, i32
  }
  func.func @transform_1(%arg0: i32) -> (i32, i32, i32) {
    %c0_i32 = arith.constant 0 : i32
    %c0_i32_0 = arith.constant 0 : i32
    %c0_i32_1 = arith.constant 0 : i32
    return %arg0, %c0_i32, %c0_i32_0 : i32, i32, i32
  }
  func.func @transform_2(%arg0: i32) -> (i32, i32, i32) {
    %c0_i32 = arith.constant 0 : i32
    %c0_i32_0 = arith.constant 0 : i32
    %c0_i32_1 = arith.constant 0 : i32
    return %arg0, %c0_i32, %c0_i32_0 : i32, i32, i32
  }
  func.func @transform_3(%arg0: i32) -> (i32, i32, i32) {
    %c0_i32 = arith.constant 0 : i32
    %c0_i32_0 = arith.constant 0 : i32
    %c0_i32_1 = arith.constant 0 : i32
    return %arg0, %c0_i32, %c0_i32_0 : i32, i32, i32
  }
  func.func @transform_4(%arg0: i32) -> (i32, i32, i32) {
    %c0_i32 = arith.constant 0 : i32
    %c0_i32_0 = arith.constant 0 : i32
    %c0_i32_1 = arith.constant 0 : i32
    return %arg0, %c0_i32, %c0_i32_0 : i32, i32, i32
  }
}

</mosaic_0001>

<sc_bundles>
// kernel: gather_offload_async_start.1
scs
__scs_entry_jumppad:
0x0: {  	(pc) =	sbr.rel $0x88, $3  }
0x1: {  	(tag) =	ssettag $0x0;
	lr =	simm.s32 $0x1  }
0x2: {  	[smem:$0x3F9D] =	sst lr;
	_ =	strace $0xD0000000  }
0x3: {  	_ = 	snop  }
0x4: {  	_ = 	snop  }
0x5: {  	_ = 	snop  }
0x6: {  	_ = 	snop  }
0x7: {  	_ = 	snop  }
__scs_overlays_trampoline_lowered:
0x8: {  	[smem:$0x3FAC] =	sst s0  }
0x9: {  	[smem:$0x3FAD] =	sst s1  }
0xa: {  	[smem:$0x3FAE] =	sst s2  }
0xb: {  	[smem:$0x3FAF] =	sst s3  }
0xc: {  	[smem:$0x3FB0] =	sst s4  }
0xd: {  	[smem:$0x3FB1] =	sst s5  }
0xe: {  	[smem:$0x3FB2] =	sst s6  }
0xf: {  	[smem:$0x3FB3] =	sst s7  }
0x10: {  	[smem:$0x3FB4] =	sst s8  }
0x11: {  	[smem:$0x3FB5] =	sst s9;
	s0 =	simm.s32 @!p0 $0x0  }
0x12: {  	s1 =	sld [smem:$0x3F9B];
	s0 =	simm.s32 @p0 $0x1  }
0x13: {  	[smem:$0x3FB6] =	sst s0;
	s0 =	simm.s32 @!p1 $0x0  }
0x14: {  	s2 =	sld [smem:$0x3F9A];
	s0 =	simm.s32 @p1 $0x1  }
0x15: {  	[smem:$0x3FB7] =	sst s0;
	s0 =	simm.s32 @!p2 $0x0  }
0x16: {  	s3 =	sld [smem:$0x3FDB];
	s0 =	simm.s32 @p2 $0x1  }
0x17: {  	s4 =	simm.s32 $0x1BF5;
	[smem:$0x3FB9] =	sst s0  }
0x18: {  	s0 =	sld [smem:$0x3F9C];
	_ =	swait.ge [sflag:s4], $0x0  }
0x19: {  	s7 =	sld [smem:$0x3F9D]  }
0x1a: {  	s8 =	sadd.s32 $0xFFFFE003, lr  }
0x1b: {  	s9 =	sadd.s32 $0xFFFFFEF7, lr;
	s5 =	simm.s32 $0xFFFFFFFF;
	p2 =	slt.u32 s8, $0xFFFFF086  }
0x1c: {  	p1 =	slt.u32 s9, $0xF7A;
	s5 =	simm.s32 @!p2 $0x0  }
0x1d: {  	s5 =	simm.s32 @p1 $0x1;
	p0 =	seq.s32 s7, s2  }
0x1e: {  	s7 =	smul.u32 @!p0 $0xF7A, s2;
	p2 =	seq.s32 @!p0 s5, $0x0  }
0x1f: {  	s9 =	smul.u32 $0xF7A, s1;
	s8 =	simm.s32 @!p0 $0x1BF5;
	p2 =	por !p2, p0  }
0x20: {  	[sflag:s8] =	ssyncset.s32 @!p0 $0xFFFFF086;
	s6 =	sadd.s32 @!p0 s3, s7;
	s7 =	simm.s32 @!p0 $0x108  }
0x21: {  	s3 =	sadd.s32 s3, s9;
	s6 =	sadd.s32 @!p0 $0x88, s6;
	s7 =	simm.s32 @p2 $0x1082  }
0x22: {  	[simem:s7], [sflag:s8] =	dma.local @!p0 [hbm:s6], $0xF7A  }
0x23: {  	s9 =	sor.u32 $0xD0000000, s2;
	s6 =	simm.s32 $0x108;
	_ =	swait.ge @!p0 [sflag:s8], $0x0  }
0x24: {  	s3 =	sadd.s32 $0x88, s3;
	s6 =	simm.s32 @!p1 $0x1082;
	[sflag:s4] =	ssyncset.s32 $0xFFFFF086  }
0x25: {  	[simem:s6], [sflag:s4] =	dma.local [hbm:s3], $0xF7A  }
0x26: {  	[smem:$0x3F9D] =	sst s1;
	(tag) =	ssettag s2;
	_ =	strace s9  }
0x27: {  	s1 =	sld [smem:$0x3FAD]  }
0x28: {  	s2 =	sld [smem:$0x3FAE]  }
0x29: {  	s4 =	sld [smem:$0x3FB0]  }
0x2a: {  	p0 =	seq.s32 s5, $0x0;
	s5 =	sld [smem:$0x3FB1]  }
0x2b: {  	s6 =	sld [smem:$0x3FB2]  }
0x2c: {  	s7 =	sld [smem:$0x3FB3]  }
0x2d: {  	s3 =	simm.s32 $0x108;
	s8 =	sld [smem:$0x3FB4]  }
0x2e: {  	s3 =	simm.s32 @!p0 $0x1082;
	s9 =	sld [smem:$0x3FB5]  }
0x2f: {  	lr =	sadd.s32 s0, s3;
	s0 =	sld [smem:$0x3FAC]  }
0x30: {  	s3 =	sld [smem:$0x3FAF]  }
0x31: {  	[smem:$0x3FB8] =	sst s10  }
0x32: {  	s10 =	sld [smem:$0x3FB6];
	_ =	sdelay $0x3  }
0x33: {  	p0 =	seq.s32 s10, $0x1;
	s10 =	sld [smem:$0x3FB8];
	_ =	sdelay $0x3  }
0x34: {  	[smem:$0x3FB8] =	sst s10  }
0x35: {  	s10 =	sld [smem:$0x3FB7];
	_ =	sdelay $0x3  }
0x36: {  	p1 =	seq.s32 s10, $0x1;
	s10 =	sld [smem:$0x3FB8];
	_ =	sdelay $0x3  }
0x37: {  	[smem:$0x3FB8] =	sst s10  }
0x38: {  	s10 =	sld [smem:$0x3FB9]  }
0x39: {  	_ = 	snop;
	(pc) =	sbr.ind lr, $3  }
0x3a: {  	_ = 	snop  }
0x3b: {  	_ = 	snop  }
0x3c: {  	p2 =	seq.s32 s10, $0x1;
	s10 =	sld [smem:$0x3FB8]  }
0x3d: {  	_ =	shalt  }
0x3e: {  	_ =	shalt  }
0x3f: {  	_ =	shalt  }
0x40: {  	_ =	shalt  }
0x41: {  	_ =	shalt  }
0x42: {  	_ =	shalt  }
0x43: {  	_ =	shalt  }
0x44: {  	_ =	shalt  }
0x45: {  	_ =	shalt  }
0x46: {  	_ =	shalt  }
0x47: {  	_ =	shalt  }
0x48: {  	_ =	shalt  }
0x49: {  	_ =	shalt  }
0x4a: {  	_ =	shalt  }
0x4b: {  	_ =	shalt  }
0x4c: {  	_ =	shalt  }
0x4d: {  	_ =	shalt  }
0x4e: {  	_ =	shalt  }
0x4f: {  	_ =	shalt  }
0x50: {  	_ =	shalt  }
0x51: {  	_ =	shalt  }
0x52: {  	_ =	shalt  }
0x53: {  	_ =	shalt  }
0x54: {  	_ =	shalt  }
0x55: {  	_ =	shalt  }
0x56: {  	_ =	shalt  }
0x57: {  	_ =	shalt  }
0x58: {  	_ =	shalt  }
0x59: {  	_ =	shalt  }
0x5a: {  	_ =	shalt  }
0x5b: {  	_ =	shalt  }
0x5c: {  	_ =	shalt  }
0x5d: {  	_ =	shalt  }
0x5e: {  	_ =	shalt  }
0x5f: {  	_ =	shalt  }
0x60: {  	_ =	shalt  }
0x61: {  	_ =	shalt  }
0x62: {  	_ =	shalt  }
0x63: {  	_ =	shalt  }
0x64: {  	_ =	shalt  }
0x65: {  	_ =	shalt  }
0x66: {  	_ =	shalt  }
0x67: {  	_ =	shalt  }
0x68: {  	_ =	shalt  }
0x69: {  	_ =	shalt  }
0x6a: {  	_ =	shalt  }
0x6b: {  	_ =	shalt  }
0x6c: {  	_ =	shalt  }
0x6d: {  	_ =	shalt  }
0x6e: {  	_ =	shalt  }
0x6f: {  	_ =	shalt  }
0x70: {  	_ =	shalt  }
0x71: {  	_ =	shalt  }
0x72: {  	_ =	shalt  }
0x73: {  	_ =	shalt  }
0x74: {  	_ =	shalt  }
0x75: {  	_ =	shalt  }
0x76: {  	_ =	shalt  }
0x77: {  	_ =	shalt  }
0x78: {  	_ =	shalt  }
0x79: {  	_ =	shalt  }
0x7a: {  	_ =	shalt  }
0x7b: {  	_ =	shalt  }
0x7c: {  	_ =	shalt  }
0x7d: {  	_ =	shalt  }
0x7e: {  	_ =	shalt  }
0x7f: {  	_ =	shalt  }
0x80: {  	_ =	shalt  }
0x81: {  	_ =	shalt  }
0x82: {  	_ =	shalt  }
0x83: {  	_ =	shalt  }
0x84: {  	_ =	shalt  }
0x85: {  	_ =	shalt  }
0x86: {  	_ =	shalt  }
0x87: {  	_ =	shalt  }
.Lfunc_end0:
.L_simem_size_0:
called_computation.1_lowered:
.L_overlay_start_0:
0x88: {  	s2 =	sld [smem:$0x3FD9]  }
0x89: {  	s3 =	sld [smem:$0x3FFE];
	_ =	sdelay $0x1  }
0x8a: {  	s1 =	srdreg.scid  }
0x8b: {  	s0 =	sand.u32 $0x1, s1  }
0x8c: {  	s16 =	sshll.u32 s0, $0xA;
	s2 =	sadd.s32 s3, s2  }
0x8d: {  	s2 =	sadd.s32 s2, s16  }
0x8e: {  	[smem:$0x3FC4] =	sst s2  }
0x8f: {  	_ = 	snop  }
0x90: {  	(tm) =	ssettm $0x1  }
0x91: {  	s17 =	sld [smem:$0x3FFB];
	_ =	sdelay $0x3  }
0x92: {  	_ =	strace s17  }
0x93: {  	s2 =	sld [smem:$0x3FFC];
	_ =	sdelay $0x3  }
0x94: {  	_ =	strace s2  }
0x95: {  	s2 =	sld [smem:$0x3FFD];
	_ =	sdelay $0x3  }
0x96: {  	_ =	strace s2  }
0x97: {  	_ =	strace $0x8FFFFFFF  }
0x98: {  	s18 =	sld [smem:$0x3FDB];
	_ =	sdelay $0x1  }
0x99: {  	s19 =	simm.s32 $_scs_section_size  }
0x9a: {  	s4 =	simm.s32 $_size__tile_overlayer_lowered;
	s5 =	simm.s32 $_tile_overlayer_lowered  }
0x9b: {  	s22 =	simm.s32 $0x1BFF;
	s21 =	sshll.u32 s5, $0x1;
	s2 =	sadd.s32 s19, s18  }
0x9c: {  	s6 =	simm.s32 $0x0;
	s20 =	sshll.u32 s4, $0x1;
	s4 =	sadd.s32 s21, s2  }
0x9d: {  	[timem:s6], [sflag:s22] =	dma.local [hbm:s4], s20  }
0x9e: {  	_ =	swait.ge [sflag:s22], s20  }
0x9f: {  	s3 =	ssub.s32 $0x0, s20;
	[sflag:s22] =	ssyncset.done $0x0  }
0xa0: {  	[sflag:s22] =	ssyncadd.s32 s3;
	_ =	sdelay $0x1  }
0xa1: {  	s23 =	simm.s32 $0x1B8B  }
0xa2: {  	_ =	swait.ge [sflag:s23], $0x1  }
0xa3: {  	[sflag:s23] =	ssyncset.done $0x0  }
0xa4: {  	s25 =	simm.s32 $0x1B8E;
	s24 =	sld [smem:$0x3FFE];
	[sflag:s23] =	ssyncadd.s32 $0xFFFFFFFF  }
0xa5: {  	s26 =	simm.s32 $execute0_lowered;
	[smem:$0x3FD2] =	sst s25  }
0xa6: {  	s4 =	sshll.u32 s26, $0x1;
	_ =	strace $0x80000046;
	[dreg:$0x1] =	wrdreg $0xFFFFFFFF  }
0xa7: {  	s28 =	simm.s32 $_size_execute0_lowered;
	s2 =	sadd.s32 s2, s4;
	[dreg:$0x0] =	wrdreg $0x0  }
0xa8: {  	s4 =	sshll.u32 s28, $0x1;
	[dreg:$0x2] =	wrdreg s2  }
0xa9: {  	[dreg:$0x3] =	wrdreg s4  }
0xaa: {  	[dreg:$0x4] =	wrdreg $0xC0  }
0xab: {  	_ =	task [dreg:s6], $0x5FFFF  }
0xac: {  	[dreg:$0x1] =	wrdreg $0xFFFFFFFF  }
0xad: {  	[dreg:$0x0] =	wrdreg $0x60  }
0xae: {  	[dreg:$0x2] =	wrdreg s24  }
0xaf: {  	[dreg:$0x3] =	wrdreg $0x9  }
0xb0: {  	_ =	task.clear_ibuf [dreg:s6], $0x4FFFF;
	_ =	strace $0x90000046  }
0xb1: {  	s29 =	simm.s32 $0x9;
	_ =	strace $0x80000048  }
0xb2: {  	_ =	swait.ge [sflag:s29], $0x1  }
0xb3: {  	[sflag:s29] =	ssyncadd.s32 $0xFFFFFFFF  }
0xb4: {  	_ =	strace $0x90000048  }
0xb5: {  	_ =	sfence  }
0xb6: {  	s30 =	sld [smem:$0x0];
	_ =	sdelay $0x2  }
0xb7: {  	s31 =	sshll.u32 s1, $0xD;
	s1 =	sshrl.u32 s1, $0x2  }
0xb8: {  	s3 =	sand.u32 $0x4000, s31;
	s1 =	sadd.s32 s1, s30  }
0xb9: {  	s0 =	sor.u32 s3, s0;
	s1 =	sshll.u32 s1, $0x11  }
0xba: {  	s0 =	sor.u32 s1, s0  }
0xbb: {  	s0 =	sadd.s32 $0x8F2B, s0  }
0xbc: {  	[sflag:s0] =	ssyncadd.remote.s32 $0x1  }
0xbd: {  	_ =	sfence.sel $0xFFFF  }
0xbe: {  	[dreg:$0x0] =	wrdreg $0xFFFFFFFF;
	(pc) =	sbr.abs _section_cstart, $3  }
0xbf: {  	[dreg:$0x1] =	wrdreg $0xFFFFFFFF  }
0xc0: {  	_ =	task.clear_ibuf [dreg:s6], $0x2FFFF;
	_ =	strace $0x9FFFFFFF  }
0xc1: {  	(tm) =	ssettm $0x7FFFFFFF  }
tec
execute0_lowered:
.L_overlay_start_1:
0x0: {  	(tag) =	ssettag $0x1  }
0x1: {  	s0 =	srdreg.scid  }
0x2: {  	s1 =	sshll.u32 s0, $0x4  }
0x3: {  	s0 =	stileid.u32;
	s1 =	sand.u32 $0x10, s1  }
0x4: {  	s1 =	sor.u32 s0, s1  }
0x5: {  	s2 =	smin.u32 s1, $0x12  }
0x6: {  	s2 =	sadd.s32 s1, s2  }
0x7: {  	p0 =	slt.u32 s1, $0x12;
	s1 =	simm.s32 $0xA0;
	s2 =	smul.u32 $0x50, s2  }
0x8: {  	s1 =	simm.s32 @!p0 $0x50  }
0x9: {  	s1 =	sadd.s32 s1, s2  }
0xa: {  	s3 =	smin.u32 s1, $0xFA0  }
0xb: {  	s7 =	ssub.s32 s3, s2  }
0xc: {  	p0 =	sgt.s32 s7, $0x0  }
0xd: {  	s7 =	simm.s32 @!p0 $0x0  }
0xe: {  	s31 =	smul.u32 $0xCCCD, s7  }
0xf: {  	s9 =	rddreg [dreg:$0x0];
	s6 =	simm.s32 $0x1;
	s11 =	simm.s32 $0x3  }
0x10: {  	s13 =	simm.s32 $0x0;
	s12 =	simm.s32 $0x0;
	s8 =	sshrl.u32 s31, $0x16  }
0x11: {  	s4 =	sadd.s32 $0x600, s9;
	s5 =	sadd.s32 $0x400, s9;
	s10 =	smul.u32 $0x50, s8  }
.Ltmp0:
0x12: {  	s9 =	sadd.s32 $0x200600, s9;
	s1 =	rddreg [dreg:$0x1];
	(pc) =	sbr.rel .LBB2_1-.Ltmp0, $4  }
0x13: {  	_ =	strace $0x80000047;
	p0 =	sne.s32 s7, s10;
	s10 =	simm.s32 $0x1  }
0x14: {  	[sflag:s6] =	ssyncpa.u1 $0x0;
	s7 =	simm.s32 $0x2;
	s10 =	simm.s32 @!p0 $0x0  }
0x15: {  	[sflag:s7] =	ssyncpa.u1 $0x0;
	p0 =	por $0x0, $0x0;
	s8 =	sadd.s32 s8, s10  }
0x16: {  	vm0 =	vmmov $0xff;
	vm1 =	vcmask $0x3F20;
	[sflag:s11] =	ssyncpa.u1 $0x0;
	s11 =	smov.u32 s2;
	s10 =	sadd.s32 $0x1, s8  }
.LBB2_6:
0x17: {  	[hbm:s17] =	stream.linear.scatter [tilespmem:s14], [sflag:$0x3], $0x400, $0x38;
	[tilespmem:$0x50A0] =	vst v63  }
.LBB2_7:
0x18: {  	s13 =	sadd.s32 $0x50, s11  }
0x19: {  	s15 =	smov.u32 s2;
	p2 =	slt.s32 s13, s3  }
0x1a: {  	s15 =	smov.u32 @p2 s13;
	p2 =	sne.s32 s12, s10  }
.Ltmp1:
0x1b: {  	p1 =	slt.u32 s12, $0x2;
	(pc) =	sbr.rel @!p2 .LBB2_8-.Ltmp1, $4  }
0x1c: {  	s14 =	simm.s32 @!p1 $0x3  }
0x1d: {  	s16 =	sadd.s32 $0x1, s12;
	_ =	swait.ge @!p1 [sflag:s14], $0x2800  }
0x1e: {  	p0 =	por !p0, !p0;
	s13 =	smov.u32 s11;
	[sflag:s14] =	ssyncset.done @!p1 $0x0  }
0x1f: {  	s12 =	smov.u32 s16;
	s11 =	smov.u32 s15;
	[sflag:s14] =	ssyncadd.s32 @!p1 $0xFFFFD800  }
.LBB2_1:
0x20: {  	p1 =	sge.u32 s12, s8  }
0x21: {  	s14 =	sxor.u32 @!p1 $0xFFFFFFFF, s12  }
0x22: {  	s14 =	sand.u32 @!p1 $0x1, s14  }
0x23: {  	s14 =	smul.u32 @!p1 $0x140, s14  }
0x24: {  	s31 =	sadd.s32 $0xFFFFFFFF, s12;
	s15 =	sshrl.u32 @!p1 s11, $0x3  }
0x25: {  	s16 =	sand.u32 @!p1 $0x7, s11;
	s15 =	sadd.s32 @!p1 s5, s15;
	s14 =	sshrl.u32 @!p1 s14, $0x2  }
0x26: {  	[tilespmem:s14], [sflag:$0x2] =	stream.linear.gather @!p1 [hbm4b:s15+s16], $0x50, $0x38;
	[tilespmem:$0x50A0] =	vst v63  }
0x27: {  	p1 =	sge.u32 s31, s8  }
.Ltmp2:
0x28: {  	_ = 	snop;
	(pc) =	sbr.rel @p1 .LBB2_7-.Ltmp2, $1  }
0x29: {  	_ =	sdelay $0x3  }
0x2a: {  	s14 =	simm.s32 $0x1  }
0x2b: {  	s14 =	simm.s32 @!p0 $0x0  }
0x2c: {  	s15 =	smul.u32 $0x140, s14  }
0x2d: {  	_ =	swait.ge [sflag:s7], $0x50  }
0x2e: {  	[sflag:s7] =	ssyncset.done $0x0;
	s16 =	sshrl.u32 s15, $0x2  }
0x2f: {  	[sflag:s7] =	ssyncadd.s32 $0xFFFFFFB0;
	s15 =	sadd.s32 $0x0, s16  }
0x30: {  	v0 =	vld.msk [tilespmem:s15+$0x0 ss:$0x1], $0xffff;
	_ =	sdelay $0x4  }
0x31: {  	v1 =	vshll.u32 v0, $0x6  }
0x32: {  	vm2 =	veq.s32 v0, $0x80000000;
	v0 =	vshll.u32 v0, $0x17;
	v1 =	vand.u32 $0x7FFF80, v1  }
0x33: {  	v0 =	vand.u32 $0x800000, v0;
	v1 =	vsel vm2, $0xFFFFFF80, v1  }
0x34: {  	v0 =	vsel vm2, $0xFF800000, v0;
	v2 =	vand.u32 $0xFFFFFC00, v1  }
0x35: {  	v1 =	vand.u32 $0x380, v1;
	v0 =	vadd.s32 v0, v2  }
0x36: {  	v0 =	vor.u32 v1, v0  }
0x37: {  	v0 =	vshrl.u32 v0, $0x3  }
0x38: {  	s14 =	smul.u32 $0xA000, s14;
	_ =	sdelay $0x1  }
0x39: {  	s14 =	sshrl.u32 s14, $0x2  }
0x3a: {  	s14 =	sor.u32 $0xA0, s14  }
0x3b: {  	[tilespmem:s14], [sflag:$0x1] =	stream.indirect_vreg.gather [hbm:s4], $0x80, v0, vm0, $0x38;
	[tilespmem:$0x50A0] =	vst v63  }
0x3c: {  	s17 =	sadd.s32 $0x10, s16;
	s15 =	sadd.s32 $0x400, s14  }
0x3d: {  	[tilespmem:s15], [sflag:$0x1] =	stream.indirect_vreg.gather [hbm:s4], $0x80, v0, vm1, $0x38;
	[tilespmem:$0x50A0] =	vst v63  }
0x3e: {  	s18 =	simm.s32 $0x80;
	v0 =	vld.msk [tilespmem:s17+$0x0 ss:$0x1], $0xffff;
	s17 =	smov.u32 s14  }
.LBB2_3:
0x3f: {  	p1 =	sne.s32 s18, $0x100;
	_ =	sdelay $0x4  }
0x40: {  	v1 =	vshll.u32 v0, $0x6  }
0x41: {  	vm2 =	veq.s32 v0, $0x80000000;
	v0 =	vshll.u32 v0, $0x17;
	v1 =	vand.u32 $0x7FFF80, v1  }
0x42: {  	v0 =	vand.u32 $0x800000, v0;
	v1 =	vsel vm2, $0xFFFFFF80, v1  }
0x43: {  	v0 =	vsel vm2, $0xFF800000, v0;
	v2 =	vand.u32 $0xFFFFFC00, v1  }
0x44: {  	v1 =	vand.u32 $0x380, v1;
	v0 =	vadd.s32 v0, v2  }
0x45: {  	v0 =	vor.u32 v1, v0  }
0x46: {  	v0 =	vshrl.u32 v0, $0x3;
	_ =	sdelay $0x3  }
.Ltmp3:
0x47: {  	s19 =	sshra.s32 s18, $0x2;
	s17 =	sadd.s32 $0x800, s17;
	(pc) =	sbr.rel @p1 .LBB2_3-.Ltmp3, $4  }
0x48: {  	[tilespmem:s17], [sflag:$0x1] =	stream.indirect_vreg.gather [hbm:s4], $0x80, v0, vm0, $0x38;
	[tilespmem:$0x50A0] =	vst v63  }
0x49: {  	s19 =	sadd.s32 s19, s16;
	s20 =	sadd.s32 $0x400, s17  }
0x4a: {  	[tilespmem:s20], [sflag:$0x1] =	stream.indirect_vreg.gather [hbm:s4], $0x80, v0, vm1, $0x38;
	[tilespmem:$0x50A0] =	vst v63  }
0x4b: {  	s18 =	sadd.s32 $0x40, s18;
	v0 =	vld.msk [tilespmem:s19+$0x0 ss:$0x1], $0xffff  }
0x4c: {  	_ =	sdelay $0x3  }
0x4d: {  	v1 =	vshll.u32 v0, $0x6  }
0x4e: {  	vm2 =	veq.s32 v0, $0x80000000;
	v63 =	vshll.u32 v0, $0x17;
	v1 =	vand.u32 $0x7FFF80, v1  }
0x4f: {  	v0 =	vand.u32 $0x800000, v63;
	v1 =	vsel vm2, $0xFFFFFF80, v1  }
0x50: {  	v0 =	vsel vm2, $0xFF800000, v0;
	v2 =	vand.u32 $0xFFFFFC00, v1  }
0x51: {  	v1 =	vand.u32 $0x380, v1;
	v0 =	vadd.s32 v0, v2  }
0x52: {  	v0 =	vor.u32 v1, v0  }
0x53: {  	v0 =	vshrl.u32 v0, $0x3;
	_ =	sdelay $0x3  }
0x54: {  	s16 =	sadd.s32 $0x800, s17  }
0x55: {  	[tilespmem:s16], [sflag:$0x1] =	stream.indirect_vreg.gather [hbm:s4], $0x80, v0, vm0, $0x38;
	[tilespmem:$0x50A0] =	vst v63  }
0x56: {  	s16 =	sadd.s32 $0x400, s16  }
0x57: {  	[tilespmem:s16], [sflag:$0x1] =	stream.indirect_vreg.gather [hbm:s4], $0x80, v0, vm1, $0x38;
	[tilespmem:$0x50A0] =	vst v63  }
0x58: {  	s13 =	sshll.u32 s13, $0x4;
	_ =	swait.ge [sflag:s6], $0x2800  }
0x59: {  	s13 =	sadd.s32 s13, s9;
	[sflag:s6] =	ssyncset.done $0x0  }
0x5a: {  	s17 =	sadd.s32 $0x0, s13;
	s16 =	simm.s32 $0x80;
	[sflag:s6] =	ssyncadd.s32 $0xFFFFD800  }
.LBB2_5:
0x5b: {  	[hbm:s17] =	stream.linear.scatter [tilespmem:s14], [sflag:$0x3], $0x400, $0x38;
	[tilespmem:$0x50A0] =	vst v63  }
0x5c: {  	s17 =	smov.u32 s16;
	s14 =	smov.u32 s15;
	p1 =	sne.s32 s16, $0x480  }
.Ltmp4:
0x5d: {  	s16 =	sadd.s32 $0x80, s16;
	(pc) =	sbr.rel @p1 .LBB2_5-.Ltmp4, $2  }
0x5e: {  	_ =	sdelay $0x2  }
0x5f: {  	s15 =	sadd.s32 $0x400, s15;
	s17 =	sadd.s32 s17, s13  }
.Ltmp5:
0x60: {  	_ = 	snop;
	(pc) =	sbr.rel .LBB2_6-.Ltmp5, $1  }
0x61: {  	_ =	sdelay $0x3  }
.LBB2_8:
0x62: {  	_ =	sfence.sel $0x180000  }
0x63: {  	s2 =	simm.s32 $0x2;
	[bflag:$0x0] =	sbarrier.arrive $0xFFFF  }
0x64: {  	s30 =	simm.s32 $0x3;
	[sflag:s2] =	ssyncpa.u1 $0x1  }
0x65: {  	s31 =	simm.s32 $0x1;
	[sflag:s30] =	ssyncpa.u1 $0x1  }
0x66: {  	[sflag:s31] =	ssyncpa.u1 $0x1  }
0x67: {  	p0 =	sne.s32 s0, $0x0;
	_ =	strace $0x90000047  }
0x68: {  	s0 =	sadd.s32 @!p0 $0x100000, s1;
	[bflag:$0x2] =	sbarrier.arrive $0xFFFF  }
0x69: {  	[sflag:s0] =	ssyncadd.tile.s32 @!p0 $0x1;
	_ =	shalt  }
.Lfunc_end2:
_tile_overlayer_lowered:
.L_overlay_start_2:
0x6a: {  	(tag) =	ssettag $0x2  }
0x6b: {  	s0 =	rddreg [dreg:$0x0];
	s2 =	stileid.u32  }
0x6c: {  	s1 =	rddreg [dreg:$0x1];
	p0 =	sne.s32 s2, $0x0  }
0x6d: {  	s3 =	rddreg [dreg:$0x2];
	[bflag:$0x3] =	sbarrier.arrive $0xFFFF;
	s2 =	simm.s32 @!p0 $0x1C01  }
0x6e: {  	[timem:s3], [sflag:s2] =	dma.local @!p0 [hbm:s0], s1  }
0x6f: {  	s0 =	simm.s32 @!p0 $0x1  }
0x70: {  	_ =	swait.ge @!p0 [sflag:s0], s1  }
0x71: {  	s1 =	ssub.s32 @!p0 $0x0, s1;
	[sflag:s0] =	ssyncset.done @!p0 $0x0  }
0x72: {  	[sflag:s0] =	ssyncadd.s32 @!p0 s1  }
0x73: {  	[bflag:$0x3] =	sbarrier.arrive $0xFFFF  }
0x74: {  	_ =	shalt  }

// kernel: gather_offload_async_start.2
scs
__scs_entry_jumppad:
0x0: {  	(pc) =	sbr.rel $0x88, $3  }
0x1: {  	(tag) =	ssettag $0x0;
	lr =	simm.s32 $0x1  }
0x2: {  	[smem:$0x3F9D] =	sst lr;
	_ =	strace $0xD0000000  }
0x3: {  	_ = 	snop  }
0x4: {  	_ = 	snop  }
0x5: {  	_ = 	snop  }
0x6: {  	_ = 	snop  }
0x7: {  	_ = 	snop  }
__scs_overlays_trampoline_lowered:
0x8: {  	[smem:$0x3FAC] =	sst s0  }
0x9: {  	[smem:$0x3FAD] =	sst s1  }
0xa: {  	[smem:$0x3FAE] =	sst s2  }
0xb: {  	[smem:$0x3FAF] =	sst s3  }
0xc: {  	[smem:$0x3FB0] =	sst s4  }
0xd: {  	[smem:$0x3FB1] =	sst s5  }
0xe: {  	[smem:$0x3FB2] =	sst s6  }
0xf: {  	[smem:$0x3FB3] =	sst s7  }
0x10: {  	[smem:$0x3FB4] =	sst s8  }
0x11: {  	[smem:$0x3FB5] =	sst s9;
	s0 =	simm.s32 @!p0 $0x0  }
0x12: {  	s1 =	sld [smem:$0x3F9B];
	s0 =	simm.s32 @p0 $0x1  }
0x13: {  	[smem:$0x3FB6] =	sst s0;
	s0 =	simm.s32 @!p1 $0x0  }
0x14: {  	s2 =	sld [smem:$0x3F9A];
	s0 =	simm.s32 @p1 $0x1  }
0x15: {  	[smem:$0x3FB7] =	sst s0;
	s0 =	simm.s32 @!p2 $0x0  }
0x16: {  	s3 =	sld [smem:$0x3FDB];
	s0 =	simm.s32 @p2 $0x1  }
0x17: {  	s4 =	simm.s32 $0x1BF5;
	[smem:$0x3FB9] =	sst s0  }
0x18: {  	s0 =	sld [smem:$0x3F9C];
	_ =	swait.ge [sflag:s4], $0x0  }
0x19: {  	s7 =	sld [smem:$0x3F9D]  }
0x1a: {  	s8 =	sadd.s32 $0xFFFFE003, lr  }
0x1b: {  	s9 =	sadd.s32 $0xFFFFFEF7, lr;
	s5 =	simm.s32 $0xFFFFFFFF;
	p2 =	slt.u32 s8, $0xFFFFF086  }
0x1c: {  	p1 =	slt.u32 s9, $0xF7A;
	s5 =	simm.s32 @!p2 $0x0  }
0x1d: {  	s5 =	simm.s32 @p1 $0x1;
	p0 =	seq.s32 s7, s2  }
0x1e: {  	s7 =	smul.u32 @!p0 $0xF7A, s2;
	p2 =	seq.s32 @!p0 s5, $0x0  }
0x1f: {  	s9 =	smul.u32 $0xF7A, s1;
	s8 =	simm.s32 @!p0 $0x1BF5;
	p2 =	por !p2, p0  }
0x20: {  	[sflag:s8] =	ssyncset.s32 @!p0 $0xFFFFF086;
	s6 =	sadd.s32 @!p0 s3, s7;
	s7 =	simm.s32 @!p0 $0x108  }
0x21: {  	s3 =	sadd.s32 s3, s9;
	s6 =	sadd.s32 @!p0 $0x88, s6;
	s7 =	simm.s32 @p2 $0x1082  }
0x22: {  	[simem:s7], [sflag:s8] =	dma.local @!p0 [hbm:s6], $0xF7A  }
0x23: {  	s9 =	sor.u32 $0xD0000000, s2;
	s6 =	simm.s32 $0x108;
	_ =	swait.ge @!p0 [sflag:s8], $0x0  }
0x24: {  	s3 =	sadd.s32 $0x88, s3;
	s6 =	simm.s32 @!p1 $0x1082;
	[sflag:s4] =	ssyncset.s32 $0xFFFFF086  }
0x25: {  	[simem:s6], [sflag:s4] =	dma.local [hbm:s3], $0xF7A  }
0x26: {  	[smem:$0x3F9D] =	sst s1;
	(tag) =	ssettag s2;
	_ =	strace s9  }
0x27: {  	s1 =	sld [smem:$0x3FAD]  }
0x28: {  	s2 =	sld [smem:$0x3FAE]  }
0x29: {  	s4 =	sld [smem:$0x3FB0]  }
0x2a: {  	p0 =	seq.s32 s5, $0x0;
	s5 =	sld [smem:$0x3FB1]  }
0x2b: {  	s6 =	sld [smem:$0x3FB2]  }
0x2c: {  	s7 =	sld [smem:$0x3FB3]  }
0x2d: {  	s3 =	simm.s32 $0x108;
	s8 =	sld [smem:$0x3FB4]  }
0x2e: {  	s3 =	simm.s32 @!p0 $0x1082;
	s9 =	sld [smem:$0x3FB5]  }
0x2f: {  	lr =	sadd.s32 s0, s3;
	s0 =	sld [smem:$0x3FAC]  }
0x30: {  	s3 =	sld [smem:$0x3FAF]  }
0x31: {  	[smem:$0x3FB8] =	sst s10  }
0x32: {  	s10 =	sld [smem:$0x3FB6];
	_ =	sdelay $0x3  }
0x33: {  	p0 =	seq.s32 s10, $0x1;
	s10 =	sld [smem:$0x3FB8];
	_ =	sdelay $0x3  }
0x34: {  	[smem:$0x3FB8] =	sst s10  }
0x35: {  	s10 =	sld [smem:$0x3FB7];
	_ =	sdelay $0x3  }
0x36: {  	p1 =	seq.s32 s10, $0x1;
	s10 =	sld [smem:$0x3FB8];
	_ =	sdelay $0x3  }
0x37: {  	[smem:$0x3FB8] =	sst s10  }
0x38: {  	s10 =	sld [smem:$0x3FB9]  }
0x39: {  	_ = 	snop;
	(pc) =	sbr.ind lr, $3  }
0x3a: {  	_ = 	snop  }
0x3b: {  	_ = 	snop  }
0x3c: {  	p2 =	seq.s32 s10, $0x1;
	s10 =	sld [smem:$0x3FB8]  }
0x3d: {  	_ =	shalt  }
0x3e: {  	_ =	shalt  }
0x3f: {  	_ =	shalt  }
0x40: {  	_ =	shalt  }
0x41: {  	_ =	shalt  }
0x42: {  	_ =	shalt  }
0x43: {  	_ =	shalt  }
0x44: {  	_ =	shalt  }
0x45: {  	_ =	shalt  }
0x46: {  	_ =	shalt  }
0x47: {  	_ =	shalt  }
0x48: {  	_ =	shalt  }
0x49: {  	_ =	shalt  }
0x4a: {  	_ =	shalt  }
0x4b: {  	_ =	shalt  }
0x4c: {  	_ =	shalt  }
0x4d: {  	_ =	shalt  }
0x4e: {  	_ =	shalt  }
0x4f: {  	_ =	shalt  }
0x50: {  	_ =	shalt  }
0x51: {  	_ =	shalt  }
0x52: {  	_ =	shalt  }
0x53: {  	_ =	shalt  }
0x54: {  	_ =	shalt  }
0x55: {  	_ =	shalt  }
0x56: {  	_ =	shalt  }
0x57: {  	_ =	shalt  }
0x58: {  	_ =	shalt  }
0x59: {  	_ =	shalt  }
0x5a: {  	_ =	shalt  }
0x5b: {  	_ =	shalt  }
0x5c: {  	_ =	shalt  }
0x5d: {  	_ =	shalt  }
0x5e: {  	_ =	shalt  }
0x5f: {  	_ =	shalt  }
0x60: {  	_ =	shalt  }
0x61: {  	_ =	shalt  }
0x62: {  	_ =	shalt  }
0x63: {  	_ =	shalt  }
0x64: {  	_ =	shalt  }
0x65: {  	_ =	shalt  }
0x66: {  	_ =	shalt  }
0x67: {  	_ =	shalt  }
0x68: {  	_ =	shalt  }
0x69: {  	_ =	shalt  }
0x6a: {  	_ =	shalt  }
0x6b: {  	_ =	shalt  }
0x6c: {  	_ =	shalt  }
0x6d: {  	_ =	shalt  }
0x6e: {  	_ =	shalt  }
0x6f: {  	_ =	shalt  }
0x70: {  	_ =	shalt  }
0x71: {  	_ =	shalt  }
0x72: {  	_ =	shalt  }
0x73: {  	_ =	shalt  }
0x74: {  	_ =	shalt  }
0x75: {  	_ =	shalt  }
0x76: {  	_ =	shalt  }
0x77: {  	_ =	shalt  }
0x78: {  	_ =	shalt  }
0x79: {  	_ =	shalt  }
0x7a: {  	_ =	shalt  }
0x7b: {  	_ =	shalt  }
0x7c: {  	_ =	shalt  }
0x7d: {  	_ =	shalt  }
0x7e: {  	_ =	shalt  }
0x7f: {  	_ =	shalt  }
0x80: {  	_ =	shalt  }
0x81: {  	_ =	shalt  }
0x82: {  	_ =	shalt  }
0x83: {  	_ =	shalt  }
0x84: {  	_ =	shalt  }
0x85: {  	_ =	shalt  }
0x86: {  	_ =	shalt  }
0x87: {  	_ =	shalt  }
.Lfunc_end0:
.L_simem_size_0:
called_computation.2_lowered:
.L_overlay_start_0:
0x88: {  	s2 =	sld [smem:$0x3FD9]  }
0x89: {  	s3 =	sld [smem:$0x3FFE];
	_ =	sdelay $0x1  }
0x8a: {  	s1 =	srdreg.scid  }
0x8b: {  	s0 =	sand.u32 $0x1, s1  }
0x8c: {  	s16 =	sshll.u32 s0, $0xA;
	s2 =	sadd.s32 s3, s2  }
0x8d: {  	s2 =	sadd.s32 s2, s16  }
0x8e: {  	[smem:$0x3FC4] =	sst s2  }
0x8f: {  	_ = 	snop  }
0x90: {  	(tm) =	ssettm $0x1  }
0x91: {  	s17 =	sld [smem:$0x3FFB];
	_ =	sdelay $0x3  }
0x92: {  	_ =	strace s17  }
0x93: {  	s2 =	sld [smem:$0x3FFC];
	_ =	sdelay $0x3  }
0x94: {  	_ =	strace s2  }
0x95: {  	s2 =	sld [smem:$0x3FFD];
	_ =	sdelay $0x3  }
0x96: {  	_ =	strace s2  }
0x97: {  	_ =	strace $0x8FFFFFFF  }
0x98: {  	s18 =	sld [smem:$0x3FDB];
	_ =	sdelay $0x1  }
0x99: {  	s19 =	simm.s32 $_scs_section_size  }
0x9a: {  	s4 =	simm.s32 $_size__tile_overlayer_lowered;
	s5 =	simm.s32 $_tile_overlayer_lowered  }
0x9b: {  	s22 =	simm.s32 $0x1BFF;
	s21 =	sshll.u32 s5, $0x1;
	s2 =	sadd.s32 s19, s18  }
0x9c: {  	s6 =	simm.s32 $0x0;
	s20 =	sshll.u32 s4, $0x1;
	s4 =	sadd.s32 s21, s2  }
0x9d: {  	[timem:s6], [sflag:s22] =	dma.local [hbm:s4], s20  }
0x9e: {  	_ =	swait.ge [sflag:s22], s20  }
0x9f: {  	s3 =	ssub.s32 $0x0, s20;
	[sflag:s22] =	ssyncset.done $0x0  }
0xa0: {  	[sflag:s22] =	ssyncadd.s32 s3;
	_ =	sdelay $0x1  }
0xa1: {  	s23 =	simm.s32 $0x1B8B  }
0xa2: {  	_ =	swait.ge [sflag:s23], $0x1  }
0xa3: {  	[sflag:s23] =	ssyncset.done $0x0  }
0xa4: {  	s25 =	simm.s32 $0x1B8E;
	s24 =	sld [smem:$0x3FFE];
	[sflag:s23] =	ssyncadd.s32 $0xFFFFFFFF  }
0xa5: {  	s26 =	simm.s32 $execute0_lowered;
	[smem:$0x3FD2] =	sst s25  }
0xa6: {  	s4 =	sshll.u32 s26, $0x1;
	_ =	strace $0x8000004C;
	[dreg:$0x1] =	wrdreg $0xFFFFFFFF  }
0xa7: {  	s28 =	simm.s32 $_size_execute0_lowered;
	s2 =	sadd.s32 s2, s4;
	[dreg:$0x0] =	wrdreg $0x0  }
0xa8: {  	s4 =	sshll.u32 s28, $0x1;
	[dreg:$0x2] =	wrdreg s2  }
0xa9: {  	[dreg:$0x3] =	wrdreg s4  }
0xaa: {  	[dreg:$0x4] =	wrdreg $0xC0  }
0xab: {  	_ =	task [dreg:s6], $0x5FFFF  }
0xac: {  	[dreg:$0x1] =	wrdreg $0xFFFFFFFF  }
0xad: {  	[dreg:$0x0] =	wrdreg $0x60  }
0xae: {  	[dreg:$0x2] =	wrdreg s24  }
0xaf: {  	[dreg:$0x3] =	wrdreg $0x9  }
0xb0: {  	_ =	task.clear_ibuf [dreg:s6], $0x4FFFF;
	_ =	strace $0x9000004C  }
0xb1: {  	s29 =	simm.s32 $0x9;
	_ =	strace $0x8000004E  }
0xb2: {  	_ =	swait.ge [sflag:s29], $0x1  }
0xb3: {  	[sflag:s29] =	ssyncadd.s32 $0xFFFFFFFF  }
0xb4: {  	_ =	strace $0x9000004E  }
0xb5: {  	_ =	sfence  }
0xb6: {  	s30 =	sld [smem:$0x0];
	_ =	sdelay $0x2  }
0xb7: {  	s31 =	sshll.u32 s1, $0xD;
	s1 =	sshrl.u32 s1, $0x2  }
0xb8: {  	s3 =	sand.u32 $0x4000, s31;
	s1 =	sadd.s32 s1, s30  }
0xb9: {  	s0 =	sor.u32 s3, s0;
	s1 =	sshll.u32 s1, $0x11  }
0xba: {  	s0 =	sor.u32 s1, s0  }
0xbb: {  	s0 =	sadd.s32 $0x8F2B, s0  }
0xbc: {  	[sflag:s0] =	ssyncadd.remote.s32 $0x1  }
0xbd: {  	_ =	sfence.sel $0xFFFF  }
0xbe: {  	[dreg:$0x0] =	wrdreg $0xFFFFFFFF;
	(pc) =	sbr.abs _section_cstart, $3  }
0xbf: {  	[dreg:$0x1] =	wrdreg $0xFFFFFFFF  }
0xc0: {  	_ =	task.clear_ibuf [dreg:s6], $0x2FFFF;
	_ =	strace $0x9FFFFFFF  }
0xc1: {  	(tm) =	ssettm $0x7FFFFFFF  }
tec
execute0_lowered:
.L_overlay_start_1:
0x0: {  	(tag) =	ssettag $0x1  }
0x1: {  	s0 =	srdreg.scid  }
0x2: {  	s1 =	sshll.u32 s0, $0x4  }
0x3: {  	s0 =	stileid.u32;
	s1 =	sand.u32 $0x10, s1  }
0x4: {  	s1 =	sor.u32 s0, s1  }
0x5: {  	s2 =	smin.u32 s1, $0x12  }
0x6: {  	s2 =	sadd.s32 s1, s2  }
0x7: {  	p0 =	slt.u32 s1, $0x12;
	s1 =	simm.s32 $0xA0;
	s2 =	smul.u32 $0x50, s2  }
0x8: {  	s1 =	simm.s32 @!p0 $0x50  }
0x9: {  	s1 =	sadd.s32 s1, s2  }
0xa: {  	s3 =	smin.u32 s1, $0xFA0  }
0xb: {  	s7 =	ssub.s32 s3, s2  }
0xc: {  	p0 =	sgt.s32 s7, $0x0  }
0xd: {  	s7 =	simm.s32 @!p0 $0x0  }
0xe: {  	s4 =	smul.u32 $0xCCCD, s7  }
0xf: {  	s9 =	rddreg [dreg:$0x0];
	s6 =	simm.s32 $0x1;
	s11 =	simm.s32 $0x3  }
0x10: {  	s13 =	simm.s32 $0x0;
	s12 =	simm.s32 $0x0;
	s8 =	sshrl.u32 s4, $0x16  }
0x11: {  	s1 =	rddreg [dreg:$0x1];
	_ =	strace $0x8000004D;
	s10 =	smul.u32 $0x50, s8  }
.Ltmp0:
0x12: {  	s5 =	sadd.s32 $0x210200, s9;
	[sflag:s6] =	ssyncpa.u1 $0x0;
	(pc) =	sbr.rel .LBB2_1-.Ltmp0, $4  }
0x13: {  	s4 =	sadd.s32 $0x400, s9;
	p0 =	sne.s32 s7, s10;
	s10 =	simm.s32 $0x1  }
0x14: {  	s9 =	sadd.s32 $0x2F200, s9;
	s7 =	simm.s32 $0x2;
	s10 =	simm.s32 @!p0 $0x0  }
0x15: {  	[sflag:s7] =	ssyncpa.u1 $0x0;
	p0 =	por $0x0, $0x0;
	s8 =	sadd.s32 s8, s10  }
0x16: {  	v0 =	vimm.s32 $0x0;
	vm0 =	vmmov $0xff;
	vm1 =	vcmask $0x3F20;
	[sflag:s11] =	ssyncpa.u1 $0x0;
	s11 =	smov.u32 s2;
	s10 =	sadd.s32 $0x1, s8  }
.LBB2_6:
0x17: {  	[hbm:s17] =	stream.linear.scatter [tilespmem:s14], [sflag:$0x3], $0x400, $0x38;
	[tilespmem:$0x50A0] =	vst v63  }
.LBB2_7:
0x18: {  	s13 =	sadd.s32 $0x50, s11  }
0x19: {  	s15 =	smov.u32 s2;
	p2 =	slt.s32 s13, s3  }
0x1a: {  	s15 =	smov.u32 @p2 s13;
	p2 =	sne.s32 s12, s10  }
.Ltmp1:
0x1b: {  	p1 =	slt.u32 s12, $0x2;
	(pc) =	sbr.rel @!p2 .LBB2_8-.Ltmp1, $4  }
0x1c: {  	s14 =	simm.s32 @!p1 $0x3  }
0x1d: {  	s16 =	sadd.s32 $0x1, s12;
	_ =	swait.ge @!p1 [sflag:s14], $0x2800  }
0x1e: {  	p0 =	por !p0, !p0;
	s13 =	smov.u32 s11;
	[sflag:s14] =	ssyncset.done @!p1 $0x0  }
0x1f: {  	s12 =	smov.u32 s16;
	s11 =	smov.u32 s15;
	[sflag:s14] =	ssyncadd.s32 @!p1 $0xFFFFD800  }
.LBB2_1:
0x20: {  	p1 =	sge.u32 s12, s8  }
0x21: {  	s14 =	sxor.u32 @!p1 $0xFFFFFFFF, s12  }
0x22: {  	s14 =	sand.u32 @!p1 $0x1, s14  }
0x23: {  	s14 =	smul.u32 @!p1 $0x140, s14  }
0x24: {  	s31 =	sadd.s32 $0xFFFFFFFF, s12;
	s15 =	sshrl.u32 @!p1 s11, $0x3  }
0x25: {  	s16 =	sand.u32 @!p1 $0x7, s11;
	s15 =	sadd.s32 @!p1 s5, s15;
	s14 =	sshrl.u32 @!p1 s14, $0x2  }
0x26: {  	[tilespmem:s14], [sflag:$0x2] =	stream.linear.gather @!p1 [hbm4b:s15+s16], $0x50, $0x38;
	[tilespmem:$0x50A0] =	vst v63  }
0x27: {  	p1 =	sge.u32 s31, s8  }
.Ltmp2:
0x28: {  	_ = 	snop;
	(pc) =	sbr.rel @p1 .LBB2_7-.Ltmp2, $1  }
0x29: {  	_ =	sdelay $0x3  }
0x2a: {  	s14 =	simm.s32 $0x1  }
0x2b: {  	s14 =	simm.s32 @!p0 $0x0  }
0x2c: {  	s15 =	smul.u32 $0x140, s14  }
0x2d: {  	_ =	swait.ge [sflag:s7], $0x50  }
0x2e: {  	[sflag:s7] =	ssyncset.done $0x0;
	s16 =	sshrl.u32 s15, $0x2  }
0x2f: {  	[sflag:s7] =	ssyncadd.s32 $0xFFFFFFB0;
	s15 =	sadd.s32 $0x0, s16  }
0x30: {  	v1 =	vld.msk [tilespmem:s15+$0x0 ss:$0x1], $0xffff;
	_ =	sdelay $0x4  }
0x31: {  	v2 =	vshrl.u32 v1, $0xC  }
0x32: {  	v3 =	vand.u32 $0x1, v1;
	v2 =	vand.u32 $0x3, v2  }
0x33: {  	vm2 =	veq.s32 v3, $0x1;
	v3 =	vshll.u32 v1, $0x6;
	v2 =	vmul.u32 $0x3E800, v2  }
0x34: {  	vm3 =	veq.s32 v1, $0x80000000;
	v1 =	vsel vm2, $0xBB800, v0;
	v3 =	vand.u32 $0x3FF80, v3  }
0x35: {  	v1 =	vadd.s32 v1, v2;
	v2 =	vsel vm3, $0xFFFFFF80, v3  }
0x36: {  	v1 =	vsel vm3, $0xFFF06000, v1;
	v3 =	vand.u32 $0xFFFFFC00, v2  }
0x37: {  	v2 =	vand.u32 $0x380, v2;
	v1 =	vadd.s32 v3, v1  }
0x38: {  	v1 =	vor.u32 v2, v1  }
0x39: {  	v1 =	vshrl.u32 v1, $0x3  }
0x3a: {  	s14 =	smul.u32 $0xA000, s14;
	_ =	sdelay $0x1  }
0x3b: {  	s14 =	sshrl.u32 s14, $0x2  }
0x3c: {  	s14 =	sor.u32 $0xA0, s14  }
0x3d: {  	[tilespmem:s14], [sflag:$0x1] =	stream.indirect_vreg.gather [hbm:s4], $0x80, v1, vm0, $0x38;
	[tilespmem:$0x50A0] =	vst v63  }
0x3e: {  	s17 =	sadd.s32 $0x10, s16;
	s15 =	sadd.s32 $0x400, s14  }
0x3f: {  	[tilespmem:s15], [sflag:$0x1] =	stream.indirect_vreg.gather [hbm:s4], $0x80, v1, vm1, $0x38;
	[tilespmem:$0x50A0] =	vst v63  }
0x40: {  	s18 =	simm.s32 $0x80;
	v1 =	vld.msk [tilespmem:s17+$0x0 ss:$0x1], $0xffff;
	s17 =	smov.u32 s14  }
.LBB2_3:
0x41: {  	p1 =	sne.s32 s18, $0x100;
	_ =	sdelay $0x4  }
0x42: {  	v2 =	vshrl.u32 v1, $0xC  }
0x43: {  	v3 =	vand.u32 $0x1, v1;
	v2 =	vand.u32 $0x3, v2  }
0x44: {  	vm2 =	veq.s32 v3, $0x1;
	v3 =	vshll.u32 v1, $0x6;
	v2 =	vmul.u32 $0x3E800, v2  }
0x45: {  	vm3 =	veq.s32 v1, $0x80000000;
	v1 =	vsel vm2, $0xBB800, v0;
	v3 =	vand.u32 $0x3FF80, v3  }
0x46: {  	v1 =	vadd.s32 v1, v2;
	v2 =	vsel vm3, $0xFFFFFF80, v3  }
0x47: {  	v1 =	vsel vm3, $0xFFF06000, v1;
	v3 =	vand.u32 $0xFFFFFC00, v2  }
0x48: {  	v2 =	vand.u32 $0x380, v2;
	v1 =	vadd.s32 v3, v1  }
0x49: {  	v1 =	vor.u32 v2, v1  }
0x4a: {  	v1 =	vshrl.u32 v1, $0x3;
	_ =	sdelay $0x3  }
.Ltmp3:
0x4b: {  	s19 =	sshra.s32 s18, $0x2;
	s17 =	sadd.s32 $0x800, s17;
	(pc) =	sbr.rel @p1 .LBB2_3-.Ltmp3, $4  }
0x4c: {  	[tilespmem:s17], [sflag:$0x1] =	stream.indirect_vreg.gather [hbm:s4], $0x80, v1, vm0, $0x38;
	[tilespmem:$0x50A0] =	vst v63  }
0x4d: {  	s19 =	sadd.s32 s19, s16;
	s20 =	sadd.s32 $0x400, s17  }
0x4e: {  	[tilespmem:s20], [sflag:$0x1] =	stream.indirect_vreg.gather [hbm:s4], $0x80, v1, vm1, $0x38;
	[tilespmem:$0x50A0] =	vst v63  }
0x4f: {  	s18 =	sadd.s32 $0x40, s18;
	v1 =	vld.msk [tilespmem:s19+$0x0 ss:$0x1], $0xffff  }
0x50: {  	_ =	sdelay $0x3  }
0x51: {  	v2 =	vshrl.u32 v1, $0xC  }
0x52: {  	v3 =	vand.u32 $0x1, v1;
	v2 =	vand.u32 $0x3, v2  }
0x53: {  	vm2 =	veq.s32 v3, $0x1;
	v3 =	vshll.u32 v1, $0x6;
	v2 =	vmul.u32 $0x3E800, v2  }
0x54: {  	vm3 =	veq.s32 v1, $0x80000000;
	v1 =	vsel vm2, $0xBB800, v0;
	v3 =	vand.u32 $0x3FF80, v3  }
0x55: {  	v1 =	vadd.s32 v1, v2;
	v2 =	vsel vm3, $0xFFFFFF80, v3  }
0x56: {  	v1 =	vsel vm3, $0xFFF06000, v1;
	v3 =	vand.u32 $0xFFFFFC00, v2  }
0x57: {  	v2 =	vand.u32 $0x380, v2;
	v1 =	vadd.s32 v3, v1  }
0x58: {  	v1 =	vor.u32 v2, v1  }
0x59: {  	v1 =	vshrl.u32 v1, $0x3;
	_ =	sdelay $0x3  }
0x5a: {  	s16 =	sadd.s32 $0x800, s17  }
0x5b: {  	[tilespmem:s16], [sflag:$0x1] =	stream.indirect_vreg.gather [hbm:s4], $0x80, v1, vm0, $0x38;
	[tilespmem:$0x50A0] =	vst v63  }
0x5c: {  	s16 =	sadd.s32 $0x400, s16  }
0x5d: {  	[tilespmem:s16], [sflag:$0x1] =	stream.indirect_vreg.gather [hbm:s4], $0x80, v1, vm1, $0x38;
	[tilespmem:$0x50A0] =	vst v63  }
0x5e: {  	s13 =	sshll.u32 s13, $0x4;
	_ =	swait.ge [sflag:s6], $0x2800  }
0x5f: {  	s13 =	sadd.s32 s13, s9;
	[sflag:s6] =	ssyncset.done $0x0  }
0x60: {  	s17 =	sadd.s32 $0x0, s13;
	s16 =	simm.s32 $0x80;
	[sflag:s6] =	ssyncadd.s32 $0xFFFFD800  }
.LBB2_5:
0x61: {  	[hbm:s17] =	stream.linear.scatter [tilespmem:s14], [sflag:$0x3], $0x400, $0x38;
	[tilespmem:$0x50A0] =	vst v63  }
0x62: {  	s17 =	smov.u32 s16;
	s14 =	smov.u32 s15;
	p1 =	sne.s32 s16, $0x480  }
.Ltmp4:
0x63: {  	s16 =	sadd.s32 $0x80, s16;
	(pc) =	sbr.rel @p1 .LBB2_5-.Ltmp4, $2  }
0x64: {  	_ =	sdelay $0x2  }
0x65: {  	s15 =	sadd.s32 $0x400, s15;
	s17 =	sadd.s32 s17, s13  }
.Ltmp5:
0x66: {  	_ = 	snop;
	(pc) =	sbr.rel .LBB2_6-.Ltmp5, $1  }
0x67: {  	_ =	sdelay $0x3  }
.LBB2_8:
0x68: {  	_ =	sfence.sel $0x180000  }
0x69: {  	s2 =	simm.s32 $0x2;
	[bflag:$0x0] =	sbarrier.arrive $0xFFFF  }
0x6a: {  	s30 =	simm.s32 $0x3;
	[sflag:s2] =	ssyncpa.u1 $0x1  }
0x6b: {  	s31 =	simm.s32 $0x1;
	[sflag:s30] =	ssyncpa.u1 $0x1  }
0x6c: {  	[sflag:s31] =	ssyncpa.u1 $0x1  }
0x6d: {  	p0 =	sne.s32 s0, $0x0;
	_ =	strace $0x9000004D  }
0x6e: {  	s0 =	sadd.s32 @!p0 $0x100000, s1;
	[bflag:$0x2] =	sbarrier.arrive $0xFFFF  }
0x6f: {  	[sflag:s0] =	ssyncadd.tile.s32 @!p0 $0x1;
	_ =	shalt  }
.Lfunc_end2:
_tile_overlayer_lowered:
.L_overlay_start_2:
0x70: {  	(tag) =	ssettag $0x2  }
0x71: {  	s0 =	rddreg [dreg:$0x0];
	s2 =	stileid.u32  }
0x72: {  	s1 =	rddreg [dreg:$0x1];
	p0 =	sne.s32 s2, $0x0  }
0x73: {  	s3 =	rddreg [dreg:$0x2];
	[bflag:$0x3] =	sbarrier.arrive $0xFFFF;
	s2 =	simm.s32 @!p0 $0x1C01  }
0x74: {  	[timem:s3], [sflag:s2] =	dma.local @!p0 [hbm:s0], s1  }
0x75: {  	s0 =	simm.s32 @!p0 $0x1  }
0x76: {  	_ =	swait.ge @!p0 [sflag:s0], s1  }
0x77: {  	s1 =	ssub.s32 @!p0 $0x0, s1;
	[sflag:s0] =	ssyncset.done @!p0 $0x0  }
0x78: {  	[sflag:s0] =	ssyncadd.s32 @!p0 s1  }
0x79: {  	[bflag:$0x3] =	sbarrier.arrive $0xFFFF  }
0x7a: {  	_ =	shalt  }

// kernel: gather_offload_async_start
scs
__scs_entry_jumppad:
0x0: {  	(pc) =	sbr.rel $0x88, $3  }
0x1: {  	(tag) =	ssettag $0x0;
	lr =	simm.s32 $0x1  }
0x2: {  	[smem:$0x3F9D] =	sst lr;
	_ =	strace $0xD0000000  }
0x3: {  	_ = 	snop  }
0x4: {  	_ = 	snop  }
0x5: {  	_ = 	snop  }
0x6: {  	_ = 	snop  }
0x7: {  	_ = 	snop  }
__scs_overlays_trampoline_lowered:
0x8: {  	[smem:$0x3FAC] =	sst s0  }
0x9: {  	[smem:$0x3FAD] =	sst s1  }
0xa: {  	[smem:$0x3FAE] =	sst s2  }
0xb: {  	[smem:$0x3FAF] =	sst s3  }
0xc: {  	[smem:$0x3FB0] =	sst s4  }
0xd: {  	[smem:$0x3FB1] =	sst s5  }
0xe: {  	[smem:$0x3FB2] =	sst s6  }
0xf: {  	[smem:$0x3FB3] =	sst s7  }
0x10: {  	[smem:$0x3FB4] =	sst s8  }
0x11: {  	[smem:$0x3FB5] =	sst s9;
	s0 =	simm.s32 @!p0 $0x0  }
0x12: {  	s1 =	sld [smem:$0x3F9B];
	s0 =	simm.s32 @p0 $0x1  }
0x13: {  	[smem:$0x3FB6] =	sst s0;
	s0 =	simm.s32 @!p1 $0x0  }
0x14: {  	s2 =	sld [smem:$0x3F9A];
	s0 =	simm.s32 @p1 $0x1  }
0x15: {  	[smem:$0x3FB7] =	sst s0;
	s0 =	simm.s32 @!p2 $0x0  }
0x16: {  	s3 =	sld [smem:$0x3FDB];
	s0 =	simm.s32 @p2 $0x1  }
0x17: {  	s4 =	simm.s32 $0x1BF5;
	[smem:$0x3FB9] =	sst s0  }
0x18: {  	s0 =	sld [smem:$0x3F9C];
	_ =	swait.ge [sflag:s4], $0x0  }
0x19: {  	s7 =	sld [smem:$0x3F9D]  }
0x1a: {  	s8 =	sadd.s32 $0xFFFFE003, lr  }
0x1b: {  	s9 =	sadd.s32 $0xFFFFFEF7, lr;
	s5 =	simm.s32 $0xFFFFFFFF;
	p2 =	slt.u32 s8, $0xFFFFF086  }
0x1c: {  	p1 =	slt.u32 s9, $0xF7A;
	s5 =	simm.s32 @!p2 $0x0  }
0x1d: {  	s5 =	simm.s32 @p1 $0x1;
	p0 =	seq.s32 s7, s2  }
0x1e: {  	s7 =	smul.u32 @!p0 $0xF7A, s2;
	p2 =	seq.s32 @!p0 s5, $0x0  }
0x1f: {  	s9 =	smul.u32 $0xF7A, s1;
	s8 =	simm.s32 @!p0 $0x1BF5;
	p2 =	por !p2, p0  }
0x20: {  	[sflag:s8] =	ssyncset.s32 @!p0 $0xFFFFF086;
	s6 =	sadd.s32 @!p0 s3, s7;
	s7 =	simm.s32 @!p0 $0x108  }
0x21: {  	s3 =	sadd.s32 s3, s9;
	s6 =	sadd.s32 @!p0 $0x88, s6;
	s7 =	simm.s32 @p2 $0x1082  }
0x22: {  	[simem:s7], [sflag:s8] =	dma.local @!p0 [hbm:s6], $0xF7A  }
0x23: {  	s9 =	sor.u32 $0xD0000000, s2;
	s6 =	simm.s32 $0x108;
	_ =	swait.ge @!p0 [sflag:s8], $0x0  }
0x24: {  	s3 =	sadd.s32 $0x88, s3;
	s6 =	simm.s32 @!p1 $0x1082;
	[sflag:s4] =	ssyncset.s32 $0xFFFFF086  }
0x25: {  	[simem:s6], [sflag:s4] =	dma.local [hbm:s3], $0xF7A  }
0x26: {  	[smem:$0x3F9D] =	sst s1;
	(tag) =	ssettag s2;
	_ =	strace s9  }
0x27: {  	s1 =	sld [smem:$0x3FAD]  }
0x28: {  	s2 =	sld [smem:$0x3FAE]  }
0x29: {  	s4 =	sld [smem:$0x3FB0]  }
0x2a: {  	p0 =	seq.s32 s5, $0x0;
	s5 =	sld [smem:$0x3FB1]  }
0x2b: {  	s6 =	sld [smem:$0x3FB2]  }
0x2c: {  	s7 =	sld [smem:$0x3FB3]  }
0x2d: {  	s3 =	simm.s32 $0x108;
	s8 =	sld [smem:$0x3FB4]  }
0x2e: {  	s3 =	simm.s32 @!p0 $0x1082;
	s9 =	sld [smem:$0x3FB5]  }
0x2f: {  	lr =	sadd.s32 s0, s3;
	s0 =	sld [smem:$0x3FAC]  }
0x30: {  	s3 =	sld [smem:$0x3FAF]  }
0x31: {  	[smem:$0x3FB8] =	sst s10  }
0x32: {  	s10 =	sld [smem:$0x3FB6];
	_ =	sdelay $0x3  }
0x33: {  	p0 =	seq.s32 s10, $0x1;
	s10 =	sld [smem:$0x3FB8];
	_ =	sdelay $0x3  }
0x34: {  	[smem:$0x3FB8] =	sst s10  }
0x35: {  	s10 =	sld [smem:$0x3FB7];
	_ =	sdelay $0x3  }
0x36: {  	p1 =	seq.s32 s10, $0x1;
	s10 =	sld [smem:$0x3FB8];
	_ =	sdelay $0x3  }
0x37: {  	[smem:$0x3FB8] =	sst s10  }
0x38: {  	s10 =	sld [smem:$0x3FB9]  }
0x39: {  	_ = 	snop;
	(pc) =	sbr.ind lr, $3  }
0x3a: {  	_ = 	snop  }
0x3b: {  	_ = 	snop  }
0x3c: {  	p2 =	seq.s32 s10, $0x1;
	s10 =	sld [smem:$0x3FB8]  }
0x3d: {  	_ =	shalt  }
0x3e: {  	_ =	shalt  }
0x3f: {  	_ =	shalt  }
0x40: {  	_ =	shalt  }
0x41: {  	_ =	shalt  }
0x42: {  	_ =	shalt  }
0x43: {  	_ =	shalt  }
0x44: {  	_ =	shalt  }
0x45: {  	_ =	shalt  }
0x46: {  	_ =	shalt  }
0x47: {  	_ =	shalt  }
0x48: {  	_ =	shalt  }
0x49: {  	_ =	shalt  }
0x4a: {  	_ =	shalt  }
0x4b: {  	_ =	shalt  }
0x4c: {  	_ =	shalt  }
0x4d: {  	_ =	shalt  }
0x4e: {  	_ =	shalt  }
0x4f: {  	_ =	shalt  }
0x50: {  	_ =	shalt  }
0x51: {  	_ =	shalt  }
0x52: {  	_ =	shalt  }
0x53: {  	_ =	shalt  }
0x54: {  	_ =	shalt  }
0x55: {  	_ =	shalt  }
0x56: {  	_ =	shalt  }
0x57: {  	_ =	shalt  }
0x58: {  	_ =	shalt  }
0x59: {  	_ =	shalt  }
0x5a: {  	_ =	shalt  }
0x5b: {  	_ =	shalt  }
0x5c: {  	_ =	shalt  }
0x5d: {  	_ =	shalt  }
0x5e: {  	_ =	shalt  }
0x5f: {  	_ =	shalt  }
0x60: {  	_ =	shalt  }
0x61: {  	_ =	shalt  }
0x62: {  	_ =	shalt  }
0x63: {  	_ =	shalt  }
0x64: {  	_ =	shalt  }
0x65: {  	_ =	shalt  }
0x66: {  	_ =	shalt  }
0x67: {  	_ =	shalt  }
0x68: {  	_ =	shalt  }
0x69: {  	_ =	shalt  }
0x6a: {  	_ =	shalt  }
0x6b: {  	_ =	shalt  }
0x6c: {  	_ =	shalt  }
0x6d: {  	_ =	shalt  }
0x6e: {  	_ =	shalt  }
0x6f: {  	_ =	shalt  }
0x70: {  	_ =	shalt  }
0x71: {  	_ =	shalt  }
0x72: {  	_ =	shalt  }
0x73: {  	_ =	shalt  }
0x74: {  	_ =	shalt  }
0x75: {  	_ =	shalt  }
0x76: {  	_ =	shalt  }
0x77: {  	_ =	shalt  }
0x78: {  	_ =	shalt  }
0x79: {  	_ =	shalt  }
0x7a: {  	_ =	shalt  }
0x7b: {  	_ =	shalt  }
0x7c: {  	_ =	shalt  }
0x7d: {  	_ =	shalt  }
0x7e: {  	_ =	shalt  }
0x7f: {  	_ =	shalt  }
0x80: {  	_ =	shalt  }
0x81: {  	_ =	shalt  }
0x82: {  	_ =	shalt  }
0x83: {  	_ =	shalt  }
0x84: {  	_ =	shalt  }
0x85: {  	_ =	shalt  }
0x86: {  	_ =	shalt  }
0x87: {  	_ =	shalt  }
.Lfunc_end0:
.L_simem_size_0:
called_computation_lowered:
.L_overlay_start_0:
0x88: {  	s2 =	sld [smem:$0x3FD9]  }
0x89: {  	s3 =	sld [smem:$0x3FFE];
	_ =	sdelay $0x1  }
0x8a: {  	s1 =	srdreg.scid  }
0x8b: {  	s0 =	sand.u32 $0x1, s1  }
0x8c: {  	s14 =	sshll.u32 s0, $0xA;
	s2 =	sadd.s32 s3, s2  }
0x8d: {  	s2 =	sadd.s32 s2, s14  }
0x8e: {  	[smem:$0x3FC4] =	sst s2  }
0x8f: {  	_ = 	snop  }
0x90: {  	s2 =	sld [smem:$0x3FD0];
	_ =	sdelay $0x2  }
0x91: {  	s4 =	simm.s32 $0xA;
	s5 =	simm.s32 $0x10;
	s15 =	sld [smem:$0x3FC9]  }
0x92: {  	[smem:s5], [sflag:s4] =	dma.local [hbm:s2], $0x1  }
0x93: {  	_ =	swait.eq [sflag:s4], $0x1  }
0x94: {  	[sflag:s4] =	ssyncset.done $0x0  }
0x95: {  	[sflag:s4] =	ssyncadd.s32 $0xFFFFFFFF  }
0x96: {  	s16 =	sld [smem:$0x10];
	(tm) =	ssettm $0x1  }
0x97: {  	s17 =	sld [smem:$0x3FFB];
	_ =	sdelay $0x3  }
0x98: {  	_ =	strace s17  }
0x99: {  	s4 =	sld [smem:$0x3FFC];
	_ =	sdelay $0x3  }
0x9a: {  	_ =	strace s4  }
0x9b: {  	s4 =	sld [smem:$0x3FFD];
	_ =	sdelay $0x3  }
0x9c: {  	_ =	strace s4  }
0x9d: {  	_ =	strace $0x8FFFFFFF  }
0x9e: {  	s18 =	sld [smem:$0x3FDB];
	_ =	sdelay $0x1  }
0x9f: {  	s19 =	simm.s32 $_scs_section_size  }
0xa0: {  	s6 =	simm.s32 $_size__tile_overlayer_lowered;
	s7 =	simm.s32 $_tile_overlayer_lowered  }
0xa1: {  	s22 =	simm.s32 $0x1BFF;
	s21 =	sshll.u32 s7, $0x1;
	s4 =	sadd.s32 s19, s18  }
0xa2: {  	s8 =	simm.s32 $0x0;
	s20 =	sshll.u32 s6, $0x1;
	s6 =	sadd.s32 s21, s4  }
0xa3: {  	[timem:s8], [sflag:s22] =	dma.local [hbm:s6], s20  }
0xa4: {  	_ =	swait.ge [sflag:s22], s20  }
0xa5: {  	s5 =	ssub.s32 $0x0, s20;
	[sflag:s22] =	ssyncset.done $0x0  }
0xa6: {  	[sflag:s22] =	ssyncadd.s32 s5;
	_ =	sdelay $0x1  }
0xa7: {  	s23 =	simm.s32 $0x1B8B  }
0xa8: {  	_ =	swait.ge [sflag:s23], $0x1  }
0xa9: {  	[sflag:s23] =	ssyncset.done $0x0  }
0xaa: {  	s25 =	simm.s32 $0x1B8E;
	s24 =	sld [smem:$0x3FFE];
	[sflag:s23] =	ssyncadd.s32 $0xFFFFFFFF  }
0xab: {  	s26 =	simm.s32 $execute0_lowered;
	[smem:$0x3FD2] =	sst s25  }
0xac: {  	s6 =	sshll.u32 s26, $0x1;
	_ =	strace $0x80000049;
	[dreg:$0x1] =	wrdreg $0xFFFFFFFF  }
0xad: {  	s28 =	simm.s32 $_size_execute0_lowered;
	s4 =	sadd.s32 s4, s6;
	[dreg:$0x0] =	wrdreg $0x0  }
0xae: {  	s6 =	sshll.u32 s28, $0x1;
	[dreg:$0x2] =	wrdreg s4  }
0xaf: {  	[dreg:$0x3] =	wrdreg s6  }
0xb0: {  	[dreg:$0x4] =	wrdreg $0xC0  }
0xb1: {  	_ =	task [dreg:s8], $0x5FFFF  }
0xb2: {  	[dreg:$0x1] =	wrdreg $0xFFFFFFFF  }
0xb3: {  	[dreg:$0x0] =	wrdreg $0x60  }
0xb4: {  	[dreg:$0x2] =	wrdreg s15  }
0xb5: {  	[dreg:$0x3] =	wrdreg s16  }
0xb6: {  	[dreg:$0x4] =	wrdreg s24  }
0xb7: {  	[dreg:$0x5] =	wrdreg $0x9  }
0xb8: {  	_ =	task.clear_ibuf [dreg:s8], $0x6FFFF;
	_ =	strace $0x90000049  }
0xb9: {  	s29 =	simm.s32 $0x9;
	_ =	strace $0x8000004B  }
0xba: {  	_ =	swait.ge [sflag:s29], $0x1  }
0xbb: {  	[sflag:s29] =	ssyncadd.s32 $0xFFFFFFFF  }
0xbc: {  	_ =	strace $0x9000004B  }
0xbd: {  	_ =	sfence  }
0xbe: {  	s30 =	sld [smem:$0x0];
	_ =	sdelay $0x2  }
0xbf: {  	s31 =	sshll.u32 s1, $0xD;
	s1 =	sshrl.u32 s1, $0x2  }
0xc0: {  	s3 =	sand.u32 $0x4000, s31;
	s1 =	sadd.s32 s1, s30  }
0xc1: {  	s0 =	sor.u32 s3, s0;
	s1 =	sshll.u32 s1, $0x11  }
0xc2: {  	s0 =	sor.u32 s1, s0  }
0xc3: {  	s0 =	sadd.s32 $0x8F2B, s0  }
0xc4: {  	[sflag:s0] =	ssyncadd.remote.s32 $0x1  }
0xc5: {  	_ =	sfence.sel $0xFFFF  }
0xc6: {  	[dreg:$0x0] =	wrdreg $0xFFFFFFFF;
	(pc) =	sbr.abs _section_cstart, $3  }
0xc7: {  	[dreg:$0x1] =	wrdreg $0xFFFFFFFF  }
0xc8: {  	_ =	task.clear_ibuf [dreg:s8], $0x2FFFF;
	_ =	strace $0x9FFFFFFF  }
0xc9: {  	(tm) =	ssettm $0x7FFFFFFF  }
tec
execute0_lowered:
.L_overlay_start_1:
0x0: {  	(tag) =	ssettag $0x1  }
0x1: {  	s2 =	rddreg [dreg:$0x0]  }
0x2: {  	s8 =	rddreg [dreg:$0x1];
	s0 =	srdreg.scid  }
0x3: {  	s4 =	rddreg [dreg:$0x2];
	s1 =	stileid.u32;
	s6 =	simm.s32 $0x2  }
0x4: {  	s10 =	simm.s32 $0x3;
	s12 =	simm.s32 $0x0;
	s3 =	sshll.u32 s0, $0x7  }
0x5: {  	s11 =	simm.s32 $0x0;
	s5 =	sshll.u32 s1, $0x8;
	s3 =	sand.u32 $0x80, s3  }
0x6: {  	s0 =	rddreg [dreg:$0x3];
	_ =	strace $0x8000004A;
	s3 =	sor.u32 s5, s3  }
0x7: {  	s4 =	sadd.s32 $0x2F200, s4;
	s5 =	simm.s32 $0x1;
	s7 =	ssub.s32 $0x1000, s3  }
.Ltmp0:
0x8: {  	[sflag:s5] =	ssyncpa.u1 $0x0;
	s9 =	sand.u32 $0xF80, s7;
	(pc) =	sbr.rel .LBB2_1-.Ltmp0, $4  }
0x9: {  	s31 =	sshrl.u32 s3, $0x3;
	p0 =	sne.s32 s9, $0x0;
	s9 =	simm.s32 $0x1  }
0xa: {  	[sflag:s6] =	ssyncpa.u1 $0x0;
	s7 =	sshrl.u32 s7, $0xC;
	s9 =	simm.s32 @!p0 $0x0  }
0xb: {  	s8 =	sadd.s32 s8, s31;
	[sflag:s10] =	ssyncpa.u1 $0x0;
	s7 =	sadd.s32 s9, s7  }
0xc: {  	vm0 =	vmmov $0xffff;
	v0 =	vimm.s32 $0x0;
	v1 =	vlaneseq.u32;
	s10 =	simm.s32 $0x0;
	p0 =	por $0x0, $0x0;
	s9 =	sadd.s32 $0x1, s7  }
.LBB2_4:
0xd: {  	_ =	sdelay $0x3  }
0xe: {  	[tilespmem:s20], [sflag:$0x1] =	stream.indirect_vreg.gather [hbm4b:s2+s10], $0x1, v2, vm0, $0x4038;
	[tilespmem:$0x500] =	vst v63  }
0xf: {  	s14 =	sadd.s32 s16, s14  }
0x10: {  	v2 =	vld.msk [tilespmem:s14+$0x0 ss:$0x1], $0xffff;
	_ =	sdelay $0x4  }
0x11: {  	v3 =	vshrl.u32 v2, $0x1  }
0x12: {  	v4 =	vand.u32 $0x1, v2;
	vm1 =	veq.s32 v2, $0x80000000;
	v2 =	vand.u32 $0x3FFFF, v3  }
0x13: {  	p1 =	sgt.s32 s17, $0x0;
	vm2 =	veq.s32 v4, $0x1;
	v2 =	vsel vm1, $0xFFFFFFFF, v2  }
0x14: {  	s17 =	simm.s32 @!p1 $0x0;
	v3 =	vsel vm2, $0xC0000, v0;
	v61 =	vshll.u32 v2, $0x2  }
0x15: {  	s26 =	smin.u32 s17, $0x10;
	v3 =	vsel vm1, $0xFFF40000, v3;
	v4 =	vand.u32 $0xFFFFFE00, v61  }
0x16: {  	v62 =	vmov s26;
	v2 =	vand.u32 $0x7F, v2;
	v3 =	vadd.s32 v3, v4  }
0x17: {  	vm1 =	vgt.u32 v62, v1;
	v2 =	vor.u32 v2, v3  }
0x18: {  	v3 =	vnsel vm1, $0x7FFFFFFF, v2;
	_ =	sdelay $0x1  }
0x19: {  	v63 =	vor.u32 $0x80, v2  }
0x1a: {  	(ifvalue) =	ssetifvalue $0x7FFFFFFF;
	v4 =	vnsel vm1, $0x7FFFFFFF, v63  }
0x1b: {  	s28 =	sadd.s32 s16, s15;
	(ifvalue) =	ssetifvalue $0x7FFFFFFF  }
0x1c: {  	v5 =	vor.u32 $0x100, v2;
	[tilespmem:s28], [sflag:$0x1] =	stream.indirect_vreg.gather [hbm4b:s2+s10], $0x1, v3, vm0, $0x4038;
	[tilespmem:$0x500] =	vst v63  }
0x1d: {  	(ifvalue) =	ssetifvalue $0x7FFFFFFF;
	v3 =	vnsel vm1, $0x7FFFFFFF, v5  }
0x1e: {  	s15 =	sadd.s32 $0x80, s28;
	(ifvalue) =	ssetifvalue $0x7FFFFFFF  }
0x1f: {  	v2 =	vor.u32 $0x180, v2;
	[tilespmem:s15], [sflag:$0x1] =	stream.indirect_vreg.gather [hbm4b:s2+s10], $0x1, v4, vm0, $0x4038;
	[tilespmem:$0x500] =	vst v63  }
0x20: {  	v2 =	vnsel vm1, $0x7FFFFFFF, v2;
	(ifvalue) =	ssetifvalue $0x7FFFFFFF  }
0x21: {  	s29 =	sadd.s32 $0x100, s28;
	(ifvalue) =	ssetifvalue $0x7FFFFFFF  }
0x22: {  	[tilespmem:s29], [sflag:$0x1] =	stream.indirect_vreg.gather [hbm4b:s2+s10], $0x1, v3, vm0, $0x4038;
	[tilespmem:$0x500] =	vst v63  }
0x23: {  	(ifvalue) =	ssetifvalue $0x7FFFFFFF  }
0x24: {  	s30 =	sshll.u32 s12, $0x2;
	s14 =	sadd.s32 $0x180, s28;
	(ifvalue) =	ssetifvalue $0x7FFFFFFF  }
0x25: {  	[tilespmem:s14], [sflag:$0x1] =	stream.indirect_vreg.gather [hbm4b:s2+s10], $0x1, v2, vm0, $0x4038;
	[tilespmem:$0x500] =	vst v63  }
0x26: {  	s31 =	sand.u32 $0x78, s12;
	s14 =	sand.u32 $0x7FFFFE00, s30  }
0x27: {  	_ =	swait.ge [sflag:s5], $0x200;
	s12 =	sor.u32 s31, s14  }
0x28: {  	[sflag:s5] =	ssyncset.done $0x0;
	s12 =	sshrl.u32 s12, $0x3  }
0x29: {  	[sflag:s5] =	ssyncadd.s32 $0xFFFFFE00;
	s12 =	sadd.s32 s4, s12  }
0x2a: {  	[hbm:s12] =	stream.linear.scatter [tilespmem:s13], [sflag:$0x3], $0x200, $0x38;
	[tilespmem:$0x500] =	vst v63  }
.LBB2_5:
0x2b: {  	p2 =	sne.s32 s11, s9  }
.Ltmp1:
0x2c: {  	p1 =	slt.u32 s11, $0x2;
	(pc) =	sbr.rel @!p2 .LBB2_6-.Ltmp1, $4  }
0x2d: {  	s12 =	simm.s32 @!p1 $0x3  }
0x2e: {  	_ =	swait.ge @!p1 [sflag:s12], $0x200  }
0x2f: {  	s13 =	sadd.s32 $0x1, s11;
	p0 =	por !p0, !p0;
	[sflag:s12] =	ssyncset.done @!p1 $0x0  }
0x30: {  	s11 =	smov.u32 s13;
	[sflag:s12] =	ssyncadd.s32 @!p1 $0xFFFFFE00;
	s12 =	smov.u32 s3  }
.LBB2_1:
0x31: {  	p1 =	sge.u32 s11, s7  }
0x32: {  	s13 =	sxor.u32 @!p1 $0xFFFFFFFF, s11  }
0x33: {  	s13 =	sshll.u32 @!p1 s13, $0x7  }
0x34: {  	s31 =	sadd.s32 $0xFFFFFFFF, s11;
	s14 =	simm.s32 @!p1 $0x0;
	s13 =	sand.u32 @!p1 $0x80, s13  }
0x35: {  	[tilespmem:s13], [sflag:$0x2] =	stream.linear.gather @!p1 [hbm4b:s8+s14], $0x80, $0x38;
	[tilespmem:$0x500] =	vst v63  }
0x36: {  	p1 =	sge.u32 s31, s7  }
.Ltmp2:
0x37: {  	_ = 	snop;
	(pc) =	sbr.rel @p1 .LBB2_5-.Ltmp2, $1  }
0x38: {  	_ =	sdelay $0x3  }
0x39: {  	s13 =	simm.s32 $0x1  }
0x3a: {  	_ =	swait.ge [sflag:s6], $0x80;
	s13 =	simm.s32 @!p0 $0x0  }
0x3b: {  	[sflag:s6] =	ssyncset.done $0x0;
	s14 =	sshll.u32 s13, $0x7  }
0x3c: {  	[sflag:s6] =	ssyncadd.s32 $0xFFFFFF80;
	s15 =	sadd.s32 $0x0, s14  }
0x3d: {  	v2 =	vld.msk [tilespmem:s15+$0x0 ss:$0x1], $0xffff;
	_ =	sdelay $0x3  }
0x3e: {  	s17 =	ssub.s32 $0xFA0, s12  }
0x3f: {  	p1 =	slt.s32 s17, $0x80;
	v3 =	vshrl.u32 v2, $0x1  }
0x40: {  	s17 =	simm.s32 @!p1 $0x80;
	v4 =	vand.u32 $0x1, v2;
	vm1 =	veq.s32 v2, $0x80000000;
	v2 =	vand.u32 $0x3FFFF, v3  }
0x41: {  	p1 =	sgt.s32 s17, $0x0;
	s15 =	smov.u32 s17;
	vm2 =	veq.s32 v4, $0x1;
	v2 =	vsel vm1, $0xFFFFFFFF, v2  }
0x42: {  	s15 =	simm.s32 @!p1 $0x0;
	v3 =	vsel vm2, $0xC0000, v0;
	v61 =	vshll.u32 v2, $0x2  }
0x43: {  	s15 =	smin.u32 s15, $0x10;
	v3 =	vsel vm1, $0xFFF40000, v3;
	v4 =	vand.u32 $0xFFFFFE00, v61  }
0x44: {  	v62 =	vmov s15;
	v2 =	vand.u32 $0x7F, v2;
	v3 =	vadd.s32 v3, v4  }
0x45: {  	vm1 =	vgt.u32 v62, v1;
	v2 =	vor.u32 v2, v3  }
0x46: {  	v3 =	vnsel vm1, $0x7FFFFFFF, v2;
	_ =	sdelay $0x1  }
0x47: {  	s13 =	sshll.u32 s13, $0x9;
	v63 =	vor.u32 $0x80, v2  }
0x48: {  	(ifvalue) =	ssetifvalue $0x7FFFFFFF;
	s15 =	sor.u32 $0x100, s13;
	v4 =	vnsel vm1, $0x7FFFFFFF, v63  }
0x49: {  	(ifvalue) =	ssetifvalue $0x7FFFFFFF;
	s18 =	sadd.s32 $0x0, s15  }
0x4a: {  	v5 =	vor.u32 $0x100, v2;
	[tilespmem:s18], [sflag:$0x1] =	stream.indirect_vreg.gather [hbm4b:s2+s10], $0x1, v3, vm0, $0x4038;
	[tilespmem:$0x500] =	vst v63  }
0x4b: {  	(ifvalue) =	ssetifvalue $0x7FFFFFFF;
	v3 =	vnsel vm1, $0x7FFFFFFF, v5  }
0x4c: {  	s16 =	sadd.s32 $0x80, s18;
	(ifvalue) =	ssetifvalue $0x7FFFFFFF  }
0x4d: {  	v2 =	vor.u32 $0x180, v2;
	[tilespmem:s16], [sflag:$0x1] =	stream.indirect_vreg.gather [hbm4b:s2+s10], $0x1, v4, vm0, $0x4038;
	[tilespmem:$0x500] =	vst v63  }
0x4e: {  	s30 =	sshll.u32 s11, $0x9;
	s19 =	simm.s32 $0x80;
	v2 =	vnsel vm1, $0x7FFFFFFF, v2;
	(ifvalue) =	ssetifvalue $0x7FFFFFFF  }
0x4f: {  	s13 =	sand.u32 $0x200, s30;
	s31 =	sadd.s32 $0x100, s18;
	(ifvalue) =	ssetifvalue $0x7FFFFFFF  }
0x50: {  	[tilespmem:s31], [sflag:$0x1] =	stream.indirect_vreg.gather [hbm4b:s2+s10], $0x1, v3, vm0, $0x4038;
	[tilespmem:$0x500] =	vst v63  }
0x51: {  	s17 =	sadd.s32 $0xFFFFFFF0, s17;
	s13 =	sor.u32 $0x100, s13;
	(ifvalue) =	ssetifvalue $0x7FFFFFFF  }
0x52: {  	s20 =	sadd.s32 $0x180, s18;
	s16 =	simm.s32 $0x10;
	(ifvalue) =	ssetifvalue $0x7FFFFFFF  }
.LBB2_3:
0x53: {  	[tilespmem:s20], [sflag:$0x1] =	stream.indirect_vreg.gather [hbm4b:s2+s10], $0x1, v2, vm0, $0x4038;
	[tilespmem:$0x500] =	vst v63  }
0x54: {  	s18 =	smov.u32 s19  }
0x55: {  	s21 =	sadd.s32 s16, s14;
	s20 =	sshra.s32 s18, $0x2;
	s18 =	sadd.s32 $0x40, s19  }
0x56: {  	p1 =	sne.s32 s19, $0x1C0;
	v2 =	vld.msk [tilespmem:s21+$0x0 ss:$0x1], $0xffff  }
0x57: {  	(ifvalue) =	ssetifvalue $0x7FFFFFFF;
	_ =	sdelay $0x4  }
0x58: {  	v3 =	vshrl.u32 v2, $0x1;
	v4 =	vand.u32 $0x1, v2  }
0x59: {  	vm1 =	veq.s32 v2, $0x80000000;
	v2 =	vand.u32 $0x3FFFF, v3;
	vm2 =	veq.s32 v4, $0x1  }
0x5a: {  	p2 =	sgt.s32 s17, $0x0;
	s19 =	smov.u32 s17;
	v2 =	vsel vm1, $0xFFFFFFFF, v2;
	v3 =	vsel vm2, $0xC0000, v0  }
0x5b: {  	s19 =	simm.s32 @!p2 $0x0;
	v3 =	vsel vm1, $0xFFF40000, v3;
	v4 =	vshll.u32 v2, $0x2  }
0x5c: {  	s19 =	smin.u32 s19, $0x10;
	v4 =	vand.u32 $0xFFFFFE00, v4  }
0x5d: {  	v2 =	vand.u32 $0x7F, v2;
	v3 =	vadd.s32 v3, v4;
	v4 =	vmov s19  }
0x5e: {  	v2 =	vor.u32 v2, v3;
	vm1 =	vgt.u32 v4, v1  }
0x5f: {  	v3 =	vnsel vm1, $0x7FFFFFFF, v2;
	v4 =	vor.u32 $0x80, v2;
	v5 =	vor.u32 $0x100, v2  }
0x60: {  	v2 =	vor.u32 $0x180, v2;
	_ =	sdelay $0x1  }
0x61: {  	v4 =	vnsel vm1, $0x7FFFFFFF, v4  }
0x62: {  	s19 =	sadd.s32 s16, s15;
	s16 =	smov.u32 s20;
	(ifvalue) =	ssetifvalue $0x7FFFFFFF  }
0x63: {  	[tilespmem:s19], [sflag:$0x1] =	stream.indirect_vreg.gather [hbm4b:s2+s10], $0x1, v3, vm0, $0x4038;
	[tilespmem:$0x500] =	vst v63  }
0x64: {  	v3 =	vnsel vm1, $0x7FFFFFFF, v5;
	(ifvalue) =	ssetifvalue $0x7FFFFFFF  }
0x65: {  	s20 =	sadd.s32 $0x80, s19;
	(ifvalue) =	ssetifvalue $0x7FFFFFFF  }
0x66: {  	[tilespmem:s20], [sflag:$0x1] =	stream.indirect_vreg.gather [hbm4b:s2+s10], $0x1, v4, vm0, $0x4038;
	[tilespmem:$0x500] =	vst v63  }
.Ltmp3:
0x67: {  	v2 =	vnsel vm1, $0x7FFFFFFF, v2;
	(ifvalue) =	ssetifvalue $0x7FFFFFFF;
	(pc) =	sbr.rel @p1 .LBB2_3-.Ltmp3, $4  }
0x68: {  	s20 =	sadd.s32 $0x100, s19;
	(ifvalue) =	ssetifvalue $0x7FFFFFFF  }
0x69: {  	[tilespmem:s20], [sflag:$0x1] =	stream.indirect_vreg.gather [hbm4b:s2+s10], $0x1, v3, vm0, $0x4038;
	[tilespmem:$0x500] =	vst v63  }
0x6a: {  	s17 =	sadd.s32 $0xFFFFFFF0, s17;
	(ifvalue) =	ssetifvalue $0x7FFFFFFF  }
0x6b: {  	s20 =	sadd.s32 $0x180, s19;
	s19 =	smov.u32 s18;
	(ifvalue) =	ssetifvalue $0x7FFFFFFF  }
.Ltmp4:
0x6c: {  	_ = 	snop;
	(pc) =	sbr.rel .LBB2_4-.Ltmp4, $1  }
0x6d: {  	_ =	sdelay $0x3  }
.LBB2_6:
0x6e: {  	_ =	sfence.sel $0x180000  }
0x6f: {  	s2 =	simm.s32 $0x2;
	[bflag:$0x0] =	sbarrier.arrive $0xFFFF  }
0x70: {  	s30 =	simm.s32 $0x3;
	[sflag:s2] =	ssyncpa.u1 $0x1  }
0x71: {  	s31 =	simm.s32 $0x1;
	[sflag:s30] =	ssyncpa.u1 $0x1  }
0x72: {  	[sflag:s31] =	ssyncpa.u1 $0x1  }
0x73: {  	p0 =	sne.s32 s1, $0x0;
	_ =	strace $0x9000004A  }
0x74: {  	s0 =	sadd.s32 @!p0 $0x100000, s0;
	[bflag:$0x2] =	sbarrier.arrive $0xFFFF  }
0x75: {  	[sflag:s0] =	ssyncadd.tile.s32 @!p0 $0x1;
	_ =	shalt  }
.Lfunc_end2:
_tile_overlayer_lowered:
.L_overlay_start_2:
0x76: {  	(tag) =	ssettag $0x2  }
0x77: {  	s0 =	rddreg [dreg:$0x0];
	s2 =	stileid.u32  }
0x78: {  	s1 =	rddreg [dreg:$0x1];
	p0 =	sne.s32 s2, $0x0  }
0x79: {  	s3 =	rddreg [dreg:$0x2];
	[bflag:$0x3] =	sbarrier.arrive $0xFFFF;
	s2 =	simm.s32 @!p0 $0x1C01  }
0x7a: {  	[timem:s3], [sflag:s2] =	dma.local @!p0 [hbm:s0], s1  }
0x7b: {  	s0 =	simm.s32 @!p0 $0x1  }
0x7c: {  	_ =	swait.ge @!p0 [sflag:s0], s1  }
0x7d: {  	s1 =	ssub.s32 @!p0 $0x0, s1;
	[sflag:s0] =	ssyncset.done @!p0 $0x0  }
0x7e: {  	[sflag:s0] =	ssyncadd.s32 @!p0 s1  }
0x7f: {  	[bflag:$0x3] =	sbarrier.arrive $0xFFFF  }
0x80: {  	_ =	shalt  }

</sc_bundles>
